<compile_context>
chip_gen: v7x
topology: tpu7x:2x2x1
jax: 0.10.2.dev20260603
libtpu: 0.0.44.dev20260713+nightly
codegen_flags: <defaults>
</compile_context>

<pallas_src>
import dataclasses

import jax
import jax.numpy as jnp
from jax import lax
from jax.experimental import pallas as pl
from jax.experimental.pallas import tpu as pltpu
from jax.experimental.pallas import tpu_sc as plsc

N_NODES = 10000
D = 128
N_EDGES = 320000

NCORES = 2
NSUB = 16
NWORK = NCORES * NSUB
EW = N_EDGES // NWORK
K = 80
CHUNKS = 128
REAL_CHUNKS = EW // K
EWP = CHUNKS * K
GC = 32
NG = CHUNKS // GC
ROWS_PER_SUB = 624
TAIL0 = NSUB * ROWS_PER_SUB
TAILN = N_NODES - TAIL0
VL = 16


def _sc_scatter(x, src_r, dst_r, zrow, zhist):
    mesh = plsc.VectorSubcoreMesh(core_axis_name="c", subcore_axis_name="s")
    cp = pltpu.CompilerParams()
    if "needs_layout_passes" in pltpu.CompilerParams.__dataclass_fields__:
        cp = dataclasses.replace(cp, needs_layout_passes=False)

    @pl.kernel(
        compiler_params=cp,
        out_type=[
            jax.ShapeDtypeStruct((NCORES, N_NODES, D), jnp.float32),
            jax.ShapeDtypeStruct((NCORES, NSUB, N_NODES), jnp.float32),
        ],
        mesh=mesh,
        scratch_types=[
            pltpu.VMEM_SHARED((N_NODES, D), jnp.float32),
            pltpu.VMEM((GC, K), jnp.int32),
            pltpu.VMEM((GC, K), jnp.int32),
            pltpu.VMEM((K, D), jnp.float32),
            pltpu.VMEM((K, D), jnp.float32),
            pltpu.VMEM((N_NODES,), jnp.float32),
            pltpu.SemaphoreType.DMA,
            pltpu.SemaphoreType.DMA,
        ],
    )
    def k(x_hbm, src_hbm, dst_hbm, zrow_hbm, zhist_hbm,
          agg_hbm, hist_hbm,
          acc, srcv, dstv, rows0, rows1, hist, sem0, sem1):
        c = lax.axis_index("c")
        s = lax.axis_index("s")
        w = c * NSUB + s
        row0 = s * ROWS_PER_SUB
        ones_v = jnp.full((VL,), 1.0, jnp.float32)

        pltpu.sync_copy(zrow_hbm.at[pl.ds(0, ROWS_PER_SUB)],
                        acc.at[pl.ds(row0, ROWS_PER_SUB)])
        pltpu.sync_copy(zhist_hbm, hist)

        @pl.when(s == 0)
        def _():
            pltpu.sync_copy(zrow_hbm.at[pl.ds(0, TAILN)],
                            acc.at[pl.ds(TAIL0, TAILN)])

        plsc.subcore_barrier()

        def hist_chunk(j):
            for l in range(0, K, VL):
                idxv = dstv[j, pl.ds(l, VL)]
                plsc.addupdate_scatter(hist, [idxv], ones_v)

        for g in range(NG):
            nreal = min(REAL_CHUNKS - g * GC, GC)

            pltpu.sync_copy(src_hbm.at[w].at[pl.ds(g * GC, GC)], srcv)
            pltpu.sync_copy(dst_hbm.at[w].at[pl.ds(g * GC, GC)], dstv)

            pltpu.async_copy(x_hbm.at[srcv.at[0]], rows0, sem0)

            @pl.loop(0, GC, step=2)
            def _(j):
                pltpu.async_copy(x_hbm.at[srcv.at[j + 1]], rows1, sem1)

                @pl.when(j < nreal)
                def _():
                    hist_chunk(j)

                pltpu.make_async_copy(x_hbm.at[srcv.at[j]], rows0, sem0).wait()

                @pl.when(j < nreal)
                def _():
                    pltpu.sync_copy(rows0, acc.at[dstv.at[j]], add=True)

                @pl.when(j + 2 < GC)
                def _():
                    pltpu.async_copy(x_hbm.at[srcv.at[j + 2]], rows0, sem0)

                @pl.when(j + 1 < nreal)
                def _():
                    hist_chunk(j + 1)

                pltpu.make_async_copy(x_hbm.at[srcv.at[j + 1]], rows1, sem1).wait()

                @pl.when(j + 1 < nreal)
                def _():
                    pltpu.sync_copy(rows1, acc.at[dstv.at[j + 1]], add=True)

        plsc.subcore_barrier()

        pltpu.sync_copy(acc.at[pl.ds(row0, ROWS_PER_SUB)],
                        agg_hbm.at[c].at[pl.ds(row0, ROWS_PER_SUB)])
        pltpu.sync_copy(hist, hist_hbm.at[c].at[s])

        @pl.when(s == 0)
        def _():
            pltpu.sync_copy(acc.at[pl.ds(TAIL0, TAILN)],
                            agg_hbm.at[c].at[pl.ds(TAIL0, TAILN)])

    return k(x, src_r, dst_r, zrow, zhist)


def _tc_finish(x, a0, a1, ht, wt):
    BLK = 1000

    def body(x_ref, a0_ref, a1_ref, h_ref, wt_ref, o_ref):
        ssum = x_ref[...] + a0_ref[...] + a1_ref[...]
        m = jnp.dot(ssum, wt_ref[...], preferred_element_type=jnp.float32)
        norm = jnp.sum(h_ref[...], axis=1, keepdims=True) + 1.0
        o_ref[...] = jnp.maximum(m / norm, 0.0)

    return pl.pallas_call(
        body,
        grid=(N_NODES // BLK,),
        in_specs=[
            pl.BlockSpec((BLK, D), lambda i: (i, 0)),
            pl.BlockSpec((BLK, D), lambda i: (i, 0)),
            pl.BlockSpec((BLK, D), lambda i: (i, 0)),
            pl.BlockSpec((BLK, NWORK), lambda i: (i, 0)),
            pl.BlockSpec((D, D), lambda i: (0, 0)),
        ],
        out_specs=pl.BlockSpec((BLK, D), lambda i: (i, 0)),
        out_shape=jax.ShapeDtypeStruct((N_NODES, D), jnp.float32),
    )(x, a0, a1, ht, wt)


def kernel(x, edge_index, W):
    src = edge_index[0].astype(jnp.int32)
    dst = edge_index[1].astype(jnp.int32)
    src_r = jnp.pad(src.reshape(NWORK, EW), ((0, 0), (0, EWP - EW)))
    dst_r = jnp.pad(dst.reshape(NWORK, EW), ((0, 0), (0, EWP - EW)))
    src_r = src_r.reshape(NWORK, CHUNKS, K)
    dst_r = dst_r.reshape(NWORK, CHUNKS, K)

    zrow = jnp.zeros((ROWS_PER_SUB, D), jnp.float32)
    zhist = jnp.zeros((N_NODES,), jnp.float32)

    agg, hist = _sc_scatter(x, src_r, dst_r, zrow, zhist)

    ht = hist.reshape(NWORK, N_NODES).T
    return _tc_finish(x, agg[0], agg[1], ht, W.T)

# --- scband reference (transcript-rebuilt; emitter-appended) ---
"""Pipeline reference for scband-gcn-80161269612933 (READ-ONLY COPY).

The authoritative reference and input builder live on the scoring server;
editing this copy changes nothing except your own understanding.
"""

import jax, jax.numpy as jnp
import numpy as np

N_NODES = 10000
N_EDGES = 320000
D_FEAT = 128
AUGMENT = 1


def setup_inputs(seed: int = 0) -> dict:
    key = jax.random.key(seed)
    k1, k2, k3 = jax.random.split(key, 3)
    x = jax.random.normal(k1, (N_NODES, D_FEAT), dtype=jnp.float32)
    edge_index = jax.random.randint(k2, (2, N_EDGES), 0, N_NODES, dtype=jnp.int64)
    # nn.Linear(in_channels, out_channels, bias=False) weight: [out, in]
    W = jax.random.normal(k3, (D_FEAT, D_FEAT), dtype=jnp.float32) * (1.0 / np.sqrt(D_FEAT))
    return {"x": x, "edge_index": edge_index, "W": W}


def reference(x, edge_index, W):
    # GCN forward: linear -> augment x (A@h + h)/ (deg+1) -> ReLU
    h = x @ W.T  # nn.Linear without bias
    src = edge_index[0]
    dst = edge_index[1]
    n = x.shape[0]
    # normalization[i] = len(edges into i) + 1
    deg = jnp.bincount(dst, length=n)
    norm = (deg.astype(jnp.float32) + 1.0)[:, None]
    for _ in range(AUGMENT):
        # adjacency_action: scatter-add of source features to destination nodes
        agg = jnp.zeros_like(h).at[dst].add(h[src])
        h = (agg + h) / norm
    return jax.nn.relu(h)

if __name__ == "__main__":
    import jax
    _d = setup_inputs()
    print(jax.jit(kernel)(*tuple(_d.values())))

</pallas_src>

<mosaic_0001>
#map = affine_map<(d0, d1) -> (0, 0)>
#map1 = affine_map<(d0, d1) -> (0, 0, 0)>
#map2 = affine_map<(d0, d1) -> (0)>
module attributes {stable_mosaic.version = 14 : i64} {
  func.func @k(%arg0: i32, %arg1: i32, %arg2: memref<10000x128xf32, #tpu.memory_space<hbm>>, %arg3: memref<32x128x80xi32, #tpu.memory_space<hbm>>, %arg4: memref<32x128x80xi32, #tpu.memory_space<hbm>>, %arg5: memref<624x128xf32, #tpu.memory_space<hbm>>, %arg6: memref<10000xf32, #tpu.memory_space<hbm>>, %arg7: memref<2x10000x128xf32, #tpu.memory_space<hbm>>, %arg8: memref<2x16x10000xf32, #tpu.memory_space<hbm>>, %arg9: memref<10000x128xf32, #tpu.memory_space<vmem_shared>>, %arg10: memref<32x80xi32, #tpu.memory_space<vmem>>, %arg11: memref<32x80xi32, #tpu.memory_space<vmem>>, %arg12: memref<80x128xf32, #tpu.memory_space<vmem>>, %arg13: memref<80x128xf32, #tpu.memory_space<vmem>>, %arg14: memref<10000xf32, #tpu.memory_space<vmem>>, %arg15: memref<!tpu.dma_semaphore, #tpu.memory_space<semaphore_mem>>, %arg16: memref<!tpu.dma_semaphore, #tpu.memory_space<semaphore_mem>>) attributes {dimension_semantics = [#tpu.dimension_semantics<core_parallel>, #tpu.dimension_semantics<subcore_parallel>], iteration_bounds = array<i64: 2, 16>, scalar_prefetch = 0 : i64, scratch_operands = 8 : i64, tpu.core_type = #tpu.core_type<sc_vector_subcore>, window_params = [{transform_indices = #map}, {transform_indices = #map1}, {transform_indices = #map1}, {transform_indices = #map}, {transform_indices = #map2}, {transform_indices = #map1}, {transform_indices = #map1}]} {
    %mul3A = arith.constant 16 : i32
    %mul3A_0 = arith.muli %arg0, %mul3A : i32
    %add3A = arith.addi %mul3A_0, %arg1 : i32
    %mul3A_1 = arith.constant 624 : i32
    %mul3A_2 = arith.muli %arg1, %mul3A_1 : i32
    %broadcast_in_dim3A = arith.constant 1.000000e+00 : f32
    %broadcast_in_dim3A_3 = vector.broadcast %broadcast_in_dim3A : f32 to vector<16xf32>
    "tpu.region"() ({
      %run_scoped3A = tpu.sem_alloc : memref<!tpu.dma_semaphore, #tpu.memory_space<semaphore_mem>>
      %dma_start3A_58 = arith.constant 0 : i32
      %dma_start3A_59 = tpu.memref_slice %arg9[%mul3A_2, %dma_start3A_58] : memref<10000x128xf32, #tpu.memory_space<vmem_shared>> -> memref<624x128xf32, #tpu.memory_space<vmem_shared>>
      %dma_start3A_60 = arith.constant 0 : i32
      %dma_start3A_61 = arith.constant 0 : i32
      %dma_start3A_62 = tpu.memref_slice %arg5[%dma_start3A_60, %dma_start3A_61] : memref<624x128xf32, #tpu.memory_space<hbm>> -> memref<624x128xf32, #tpu.memory_space<hbm>>
      tpu.enqueue_dma source(%dma_start3A_62 : memref<624x128xf32, #tpu.memory_space<hbm>>) target(%dma_start3A_59 : memref<624x128xf32, #tpu.memory_space<vmem_shared>>) target_semaphore(%run_scoped3A : memref<!tpu.dma_semaphore, #tpu.memory_space<semaphore_mem>>)
      %dma_wait3A = arith.constant 0 : i32
      %dma_wait3A_63 = tpu.memref_slice %arg9[%mul3A_2, %dma_wait3A] : memref<10000x128xf32, #tpu.memory_space<vmem_shared>> -> memref<624x128xf32, #tpu.memory_space<vmem_shared>>
      %dma_wait3A_64 = arith.constant 0 : i32
      %dma_wait3A_65 = arith.constant 0 : i32
      %dma_wait3A_66 = tpu.memref_slice %arg5[%dma_wait3A_64, %dma_wait3A_65] : memref<624x128xf32, #tpu.memory_space<hbm>> -> memref<624x128xf32, #tpu.memory_space<hbm>>
      tpu.wait_dma2 semaphore(%run_scoped3A : memref<!tpu.dma_semaphore, #tpu.memory_space<semaphore_mem>>) src(%dma_wait3A_66 : memref<624x128xf32, #tpu.memory_space<hbm>>) dst(%dma_wait3A_63 : memref<624x128xf32, #tpu.memory_space<vmem_shared>>)
      tpu.yield
    }) : () -> ()
    "tpu.region"() ({
      %run_scoped3A = tpu.sem_alloc : memref<!tpu.dma_semaphore, #tpu.memory_space<semaphore_mem>>
      tpu.enqueue_dma source(%arg6 : memref<10000xf32, #tpu.memory_space<hbm>>) target(%arg14 : memref<10000xf32, #tpu.memory_space<vmem>>) target_semaphore(%run_scoped3A : memref<!tpu.dma_semaphore, #tpu.memory_space<semaphore_mem>>)
      tpu.wait_dma2 semaphore(%run_scoped3A : memref<!tpu.dma_semaphore, #tpu.memory_space<semaphore_mem>>) src(%arg6 : memref<10000xf32, #tpu.memory_space<hbm>>) dst(%arg14 : memref<10000xf32, #tpu.memory_space<vmem>>)
      tpu.yield
    }) : () -> ()
    %eq3A = arith.constant 0 : i32
    %eq3A_4 = arith.cmpi eq, %arg1, %eq3A : i32
    %convert_element_type3A = arith.extui %eq3A_4 : i1 to i32
    %cond3A = arith.constant 0 : i32
    %cond3A_5 = arith.cmpi ne, %convert_element_type3A, %cond3A : i32
    scf.if %cond3A_5 {
      "tpu.region"() ({
        %run_scoped3A = tpu.sem_alloc : memref<!tpu.dma_semaphore, #tpu.memory_space<semaphore_mem>>
        %dma_start3A_58 = arith.constant 9984 : i32
        %dma_start3A_59 = arith.constant 0 : i32
        %dma_start3A_60 = tpu.memref_slice %arg9[%dma_start3A_58, %dma_start3A_59] : memref<10000x128xf32, #tpu.memory_space<vmem_shared>> -> memref<16x128xf32, #tpu.memory_space<vmem_shared>>
        %dma_start3A_61 = arith.constant 0 : i32
        %dma_start3A_62 = arith.constant 0 : i32
        %dma_start3A_63 = tpu.memref_slice %arg5[%dma_start3A_61, %dma_start3A_62] : memref<624x128xf32, #tpu.memory_space<hbm>> -> memref<16x128xf32, #tpu.memory_space<hbm>>
        tpu.enqueue_dma source(%dma_start3A_63 : memref<16x128xf32, #tpu.memory_space<hbm>>) target(%dma_start3A_60 : memref<16x128xf32, #tpu.memory_space<vmem_shared>>) target_semaphore(%run_scoped3A : memref<!tpu.dma_semaphore, #tpu.memory_space<semaphore_mem>>)
        %dma_wait3A = arith.constant 9984 : i32
        %dma_wait3A_64 = arith.constant 0 : i32
        %dma_wait3A_65 = tpu.memref_slice %arg9[%dma_wait3A, %dma_wait3A_64] : memref<10000x128xf32, #tpu.memory_space<vmem_shared>> -> memref<16x128xf32, #tpu.memory_space<vmem_shared>>
        %dma_wait3A_66 = arith.constant 0 : i32
        %dma_wait3A_67 = arith.constant 0 : i32
        %dma_wait3A_68 = tpu.memref_slice %arg5[%dma_wait3A_66, %dma_wait3A_67] : memref<624x128xf32, #tpu.memory_space<hbm>> -> memref<16x128xf32, #tpu.memory_space<hbm>>
        tpu.wait_dma2 semaphore(%run_scoped3A : memref<!tpu.dma_semaphore, #tpu.memory_space<semaphore_mem>>) src(%dma_wait3A_68 : memref<16x128xf32, #tpu.memory_space<hbm>>) dst(%dma_wait3A_65 : memref<16x128xf32, #tpu.memory_space<vmem_shared>>)
        tpu.yield
      }) : () -> ()
    } else {
    }
    %barrier3A = arith.constant 0 : index
    tpu.barrier barrier_id(%barrier3A)
    "tpu.region"() ({
      %run_scoped3A = tpu.sem_alloc : memref<!tpu.dma_semaphore, #tpu.memory_space<semaphore_mem>>
      %dma_start3A_58 = arith.constant 0 : i32
      %dma_start3A_59 = arith.constant 0 : i32
      %dma_start3A_60 = tpu.memref_slice %arg3[%add3A, %dma_start3A_58, %dma_start3A_59] : memref<32x128x80xi32, #tpu.memory_space<hbm>> -> memref<1x128x80xi32, #tpu.memory_space<hbm>>
      %dma_start3A_61 = tpu.memref_squeeze %dma_start3A_60 : memref<1x128x80xi32, #tpu.memory_space<hbm>> -> memref<128x80xi32, #tpu.memory_space<hbm>>
      %dma_start3A_62 = arith.constant 0 : i32
      %dma_start3A_63 = arith.constant 0 : i32
      %dma_start3A_64 = tpu.memref_slice %dma_start3A_61[%dma_start3A_62, %dma_start3A_63] : memref<128x80xi32, #tpu.memory_space<hbm>> -> memref<32x80xi32, #tpu.memory_space<hbm>>
      %dma_start3A_65 = arith.constant 0 : i32
      %dma_start3A_66 = arith.constant 0 : i32
      %dma_start3A_67 = tpu.memref_slice %arg3[%add3A, %dma_start3A_65, %dma_start3A_66] : memref<32x128x80xi32, #tpu.memory_space<hbm>> -> memref<1x128x80xi32, #tpu.memory_space<hbm>>
      %dma_start3A_68 = tpu.memref_squeeze %dma_start3A_67 : memref<1x128x80xi32, #tpu.memory_space<hbm>> -> memref<128x80xi32, #tpu.memory_space<hbm>>
      %dma_start3A_69 = arith.constant 0 : i32
      %dma_start3A_70 = arith.constant 0 : i32
      %dma_start3A_71 = tpu.memref_slice %dma_start3A_68[%dma_start3A_69, %dma_start3A_70] : memref<128x80xi32, #tpu.memory_space<hbm>> -> memref<32x80xi32, #tpu.memory_space<hbm>>
      tpu.enqueue_dma source(%dma_start3A_71 : memref<32x80xi32, #tpu.memory_space<hbm>>) target(%arg10 : memref<32x80xi32, #tpu.memory_space<vmem>>) target_semaphore(%run_scoped3A : memref<!tpu.dma_semaphore, #tpu.memory_space<semaphore_mem>>)
      %dma_wait3A = arith.constant 0 : i32
      %dma_wait3A_72 = arith.constant 0 : i32
      %dma_wait3A_73 = tpu.memref_slice %arg3[%add3A, %dma_wait3A, %dma_wait3A_72] : memref<32x128x80xi32, #tpu.memory_space<hbm>> -> memref<1x128x80xi32, #tpu.memory_space<hbm>>
      %dma_wait3A_74 = tpu.memref_squeeze %dma_wait3A_73 : memref<1x128x80xi32, #tpu.memory_space<hbm>> -> memref<128x80xi32, #tpu.memory_space<hbm>>
      %dma_wait3A_75 = arith.constant 0 : i32
      %dma_wait3A_76 = arith.constant 0 : i32
      %dma_wait3A_77 = tpu.memref_slice %dma_wait3A_74[%dma_wait3A_75, %dma_wait3A_76] : memref<128x80xi32, #tpu.memory_space<hbm>> -> memref<32x80xi32, #tpu.memory_space<hbm>>
      %dma_wait3A_78 = arith.constant 0 : i32
      %dma_wait3A_79 = arith.constant 0 : i32
      %dma_wait3A_80 = tpu.memref_slice %arg3[%add3A, %dma_wait3A_78, %dma_wait3A_79] : memref<32x128x80xi32, #tpu.memory_space<hbm>> -> memref<1x128x80xi32, #tpu.memory_space<hbm>>
      %dma_wait3A_81 = tpu.memref_squeeze %dma_wait3A_80 : memref<1x128x80xi32, #tpu.memory_space<hbm>> -> memref<128x80xi32, #tpu.memory_space<hbm>>
      %dma_wait3A_82 = arith.constant 0 : i32
      %dma_wait3A_83 = arith.constant 0 : i32
      %dma_wait3A_84 = tpu.memref_slice %dma_wait3A_81[%dma_wait3A_82, %dma_wait3A_83] : memref<128x80xi32, #tpu.memory_space<hbm>> -> memref<32x80xi32, #tpu.memory_space<hbm>>
      tpu.wait_dma2 semaphore(%run_scoped3A : memref<!tpu.dma_semaphore, #tpu.memory_space<semaphore_mem>>) src(%dma_wait3A_84 : memref<32x80xi32, #tpu.memory_space<hbm>>) dst(%arg10 : memref<32x80xi32, #tpu.memory_space<vmem>>)
      tpu.yield
    }) : () -> ()
    "tpu.region"() ({
      %run_scoped3A = tpu.sem_alloc : memref<!tpu.dma_semaphore, #tpu.memory_space<semaphore_mem>>
      %dma_start3A_58 = arith.constant 0 : i32
      %dma_start3A_59 = arith.constant 0 : i32
      %dma_start3A_60 = tpu.memref_slice %arg4[%add3A, %dma_start3A_58, %dma_start3A_59] : memref<32x128x80xi32, #tpu.memory_space<hbm>> -> memref<1x128x80xi32, #tpu.memory_space<hbm>>
      %dma_start3A_61 = tpu.memref_squeeze %dma_start3A_60 : memref<1x128x80xi32, #tpu.memory_space<hbm>> -> memref<128x80xi32, #tpu.memory_space<hbm>>
      %dma_start3A_62 = arith.constant 0 : i32
      %dma_start3A_63 = arith.constant 0 : i32
      %dma_start3A_64 = tpu.memref_slice %dma_start3A_61[%dma_start3A_62, %dma_start3A_63] : memref<128x80xi32, #tpu.memory_space<hbm>> -> memref<32x80xi32, #tpu.memory_space<hbm>>
      %dma_start3A_65 = arith.constant 0 : i32
      %dma_start3A_66 = arith.constant 0 : i32
      %dma_start3A_67 = tpu.memref_slice %arg4[%add3A, %dma_start3A_65, %dma_start3A_66] : memref<32x128x80xi32, #tpu.memory_space<hbm>> -> memref<1x128x80xi32, #tpu.memory_space<hbm>>
      %dma_start3A_68 = tpu.memref_squeeze %dma_start3A_67 : memref<1x128x80xi32, #tpu.memory_space<hbm>> -> memref<128x80xi32, #tpu.memory_space<hbm>>
      %dma_start3A_69 = arith.constant 0 : i32
      %dma_start3A_70 = arith.constant 0 : i32
      %dma_start3A_71 = tpu.memref_slice %dma_start3A_68[%dma_start3A_69, %dma_start3A_70] : memref<128x80xi32, #tpu.memory_space<hbm>> -> memref<32x80xi32, #tpu.memory_space<hbm>>
      tpu.enqueue_dma source(%dma_start3A_71 : memref<32x80xi32, #tpu.memory_space<hbm>>) target(%arg11 : memref<32x80xi32, #tpu.memory_space<vmem>>) target_semaphore(%run_scoped3A : memref<!tpu.dma_semaphore, #tpu.memory_space<semaphore_mem>>)
      %dma_wait3A = arith.constant 0 : i32
      %dma_wait3A_72 = arith.constant 0 : i32
      %dma_wait3A_73 = tpu.memref_slice %arg4[%add3A, %dma_wait3A, %dma_wait3A_72] : memref<32x128x80xi32, #tpu.memory_space<hbm>> -> memref<1x128x80xi32, #tpu.memory_space<hbm>>
      %dma_wait3A_74 = tpu.memref_squeeze %dma_wait3A_73 : memref<1x128x80xi32, #tpu.memory_space<hbm>> -> memref<128x80xi32, #tpu.memory_space<hbm>>
      %dma_wait3A_75 = arith.constant 0 : i32
      %dma_wait3A_76 = arith.constant 0 : i32
      %dma_wait3A_77 = tpu.memref_slice %dma_wait3A_74[%dma_wait3A_75, %dma_wait3A_76] : memref<128x80xi32, #tpu.memory_space<hbm>> -> memref<32x80xi32, #tpu.memory_space<hbm>>
      %dma_wait3A_78 = arith.constant 0 : i32
      %dma_wait3A_79 = arith.constant 0 : i32
      %dma_wait3A_80 = tpu.memref_slice %arg4[%add3A, %dma_wait3A_78, %dma_wait3A_79] : memref<32x128x80xi32, #tpu.memory_space<hbm>> -> memref<1x128x80xi32, #tpu.memory_space<hbm>>
      %dma_wait3A_81 = tpu.memref_squeeze %dma_wait3A_80 : memref<1x128x80xi32, #tpu.memory_space<hbm>> -> memref<128x80xi32, #tpu.memory_space<hbm>>
      %dma_wait3A_82 = arith.constant 0 : i32
      %dma_wait3A_83 = arith.constant 0 : i32
      %dma_wait3A_84 = tpu.memref_slice %dma_wait3A_81[%dma_wait3A_82, %dma_wait3A_83] : memref<128x80xi32, #tpu.memory_space<hbm>> -> memref<32x80xi32, #tpu.memory_space<hbm>>
      tpu.wait_dma2 semaphore(%run_scoped3A : memref<!tpu.dma_semaphore, #tpu.memory_space<semaphore_mem>>) src(%dma_wait3A_84 : memref<32x80xi32, #tpu.memory_space<hbm>>) dst(%arg11 : memref<32x80xi32, #tpu.memory_space<vmem>>)
      tpu.yield
    }) : () -> ()
    %dma_start3A = arith.constant 0 : i32
    %dma_start3A_6 = arith.constant 0 : i32
    %dma_start3A_7 = tpu.memref_slice %arg10[%dma_start3A, %dma_start3A_6] : memref<32x80xi32, #tpu.memory_space<vmem>> -> memref<1x80xi32, #tpu.memory_space<vmem>>
    %dma_start3A_8 = tpu.memref_squeeze %dma_start3A_7 : memref<1x80xi32, #tpu.memory_space<vmem>> -> memref<80xi32, #tpu.memory_space<vmem>>
    %dma_start3A_9 = arith.constant 0 : i32
    %dma_start3A_10 = arith.constant 0 : i32
    %dma_start3A_11 = tpu.memref_slice %arg2[%dma_start3A_9, %dma_start3A_10] : memref<10000x128xf32, #tpu.memory_space<hbm>> -> memref<10000x128xf32, #tpu.memory_space<hbm>>
    tpu.enqueue_indirect_dma source(%dma_start3A_11 : memref<10000x128xf32, #tpu.memory_space<hbm>>) target(%arg12 : memref<80x128xf32, #tpu.memory_space<vmem>>) offsets(%dma_start3A_8 : memref<80xi32, #tpu.memory_space<vmem>>) semaphore(%arg15 : memref<!tpu.dma_semaphore, #tpu.memory_space<semaphore_mem>>)
    %scan3A = arith.constant 0 : i32
    %scan3A_12 = arith.constant 16 : i32
    %scan3A_13 = arith.addi %scan3A, %scan3A_12 : i32
    %scan3A_14 = arith.constant 1 : i32
    scf.for %scan3A_58 = %scan3A to %scan3A_13 step %scan3A_14  : i32 {
      %mul3A_59 = arith.constant 2 : i32
      %mul3A_60 = arith.muli %scan3A_58, %mul3A_59 : i32
      %add3A_61 = arith.constant 0 : i32
      %add3A_62 = arith.addi %add3A_61, %mul3A_60 : i32
      %add3A_63 = arith.constant 1 : i32
      %add3A_64 = arith.addi %add3A_62, %add3A_63 : i32
      %dma_start3A_65 = arith.constant 0 : i32
      %dma_start3A_66 = tpu.memref_slice %arg10[%add3A_64, %dma_start3A_65] : memref<32x80xi32, #tpu.memory_space<vmem>> -> memref<1x80xi32, #tpu.memory_space<vmem>>
      %dma_start3A_67 = tpu.memref_squeeze %dma_start3A_66 : memref<1x80xi32, #tpu.memory_space<vmem>> -> memref<80xi32, #tpu.memory_space<vmem>>
      %dma_start3A_68 = arith.constant 0 : i32
      %dma_start3A_69 = arith.constant 0 : i32
      %dma_start3A_70 = tpu.memref_slice %arg2[%dma_start3A_68, %dma_start3A_69] : memref<10000x128xf32, #tpu.memory_space<hbm>> -> memref<10000x128xf32, #tpu.memory_space<hbm>>
      tpu.enqueue_indirect_dma source(%dma_start3A_70 : memref<10000x128xf32, #tpu.memory_space<hbm>>) target(%arg13 : memref<80x128xf32, #tpu.memory_space<vmem>>) offsets(%dma_start3A_67 : memref<80xi32, #tpu.memory_space<vmem>>) semaphore(%arg16 : memref<!tpu.dma_semaphore, #tpu.memory_space<semaphore_mem>>)
      %lt3A = arith.constant 32 : i32
      %lt3A_71 = arith.cmpi slt, %add3A_62, %lt3A : i32
      %convert_element_type3A_72 = arith.extui %lt3A_71 : i1 to i32
      %cond3A_73 = arith.constant 0 : i32
      %cond3A_74 = arith.cmpi ne, %convert_element_type3A_72, %cond3A_73 : i32
      scf.if %cond3A_74 {
        %get3A = arith.index_cast %add3A_62 : i32 to index
        %get3A_114 = arith.constant 0 : index
        %get3A_115 = tpu.vector_load %arg11[%get3A, %get3A_114] {strides = array<i32>} : memref<32x80xi32, #tpu.memory_space<vmem>>, vector<16xi32>,
        tpu.vector_store_idx %arg14[%get3A_115], %broadcast_in_dim3A_3 {add = true} : memref<10000xf32, #tpu.memory_space<vmem>>[vector<16xi32>], vector<16xf32>,
        %get3A_116 = arith.index_cast %add3A_62 : i32 to index
        %get3A_117 = arith.constant 16 : index
        %get3A_118 = tpu.vector_load %arg11[%get3A_116, %get3A_117] {strides = array<i32>} : memref<32x80xi32, #tpu.memory_space<vmem>>, vector<16xi32>,
        tpu.vector_store_idx %arg14[%get3A_118], %broadcast_in_dim3A_3 {add = true} : memref<10000xf32, #tpu.memory_space<vmem>>[vector<16xi32>], vector<16xf32>,
        %get3A_119 = arith.index_cast %add3A_62 : i32 to index
        %get3A_120 = arith.constant 32 : index
        %get3A_121 = tpu.vector_load %arg11[%get3A_119, %get3A_120] {strides = array<i32>} : memref<32x80xi32, #tpu.memory_space<vmem>>, vector<16xi32>,
        tpu.vector_store_idx %arg14[%get3A_121], %broadcast_in_dim3A_3 {add = true} : memref<10000xf32, #tpu.memory_space<vmem>>[vector<16xi32>], vector<16xf32>,
        %get3A_122 = arith.index_cast %add3A_62 : i32 to index
        %get3A_123 = arith.constant 48 : index
        %get3A_124 = tpu.vector_load %arg11[%get3A_122, %get3A_123] {strides = array<i32>} : memref<32x80xi32, #tpu.memory_space<vmem>>, vector<16xi32>,
        tpu.vector_store_idx %arg14[%get3A_124], %broadcast_in_dim3A_3 {add = true} : memref<10000xf32, #tpu.memory_space<vmem>>[vector<16xi32>], vector<16xf32>,
        %get3A_125 = arith.index_cast %add3A_62 : i32 to index
        %get3A_126 = arith.constant 64 : index
        %get3A_127 = tpu.vector_load %arg11[%get3A_125, %get3A_126] {strides = array<i32>} : memref<32x80xi32, #tpu.memory_space<vmem>>, vector<16xi32>,
        tpu.vector_store_idx %arg14[%get3A_127], %broadcast_in_dim3A_3 {add = true} : memref<10000xf32, #tpu.memory_space<vmem>>[vector<16xi32>], vector<16xf32>,
      } else {
      }
      %dma_wait3A = arith.constant 0 : i32
      %dma_wait3A_75 = tpu.memref_slice %arg10[%add3A_62, %dma_wait3A] : memref<32x80xi32, #tpu.memory_space<vmem>> -> memref<1x80xi32, #tpu.memory_space<vmem>>
      %dma_wait3A_76 = tpu.memref_squeeze %dma_wait3A_75 : memref<1x80xi32, #tpu.memory_space<vmem>> -> memref<80xi32, #tpu.memory_space<vmem>>
      %dma_wait3A_77 = arith.constant 0 : i32
      %dma_wait3A_78 = arith.constant 0 : i32
      %dma_wait3A_79 = tpu.memref_slice %arg2[%dma_wait3A_77, %dma_wait3A_78] : memref<10000x128xf32, #tpu.memory_space<hbm>> -> memref<10000x128xf32, #tpu.memory_space<hbm>>
      tpu.wait_indirect_dma semaphore(%arg15 : memref<!tpu.dma_semaphore, #tpu.memory_space<semaphore_mem>>) src(%dma_wait3A_79 : memref<10000x128xf32, #tpu.memory_space<hbm>>) dst(%arg12 : memref<80x128xf32, #tpu.memory_space<vmem>>)
      %lt3A_80 = arith.constant 32 : i32
      %lt3A_81 = arith.cmpi slt, %add3A_62, %lt3A_80 : i32
      %convert_element_type3A_82 = arith.extui %lt3A_81 : i1 to i32
      %cond3A_83 = arith.constant 0 : i32
      %cond3A_84 = arith.cmpi ne, %convert_element_type3A_82, %cond3A_83 : i32
      scf.if %cond3A_84 {
        "tpu.region"() ({
          %run_scoped3A = tpu.sem_alloc : memref<!tpu.dma_semaphore, #tpu.memory_space<semaphore_mem>>
          %dma_start3A_114 = arith.constant 0 : i32
          %dma_start3A_115 = tpu.memref_slice %arg11[%add3A_62, %dma_start3A_114] : memref<32x80xi32, #tpu.memory_space<vmem>> -> memref<1x80xi32, #tpu.memory_space<vmem>>
          %dma_start3A_116 = tpu.memref_squeeze %dma_start3A_115 : memref<1x80xi32, #tpu.memory_space<vmem>> -> memref<80xi32, #tpu.memory_space<vmem>>
          %dma_start3A_117 = arith.constant 0 : i32
          %dma_start3A_118 = arith.constant 0 : i32
          %dma_start3A_119 = tpu.memref_slice %arg9[%dma_start3A_117, %dma_start3A_118] : memref<10000x128xf32, #tpu.memory_space<vmem_shared>> -> memref<10000x128xf32, #tpu.memory_space<vmem_shared>>
          tpu.enqueue_indirect_dma source(%arg12 : memref<80x128xf32, #tpu.memory_space<vmem>>) target(%dma_start3A_119 : memref<10000x128xf32, #tpu.memory_space<vmem_shared>>) offsets(%dma_start3A_116 : memref<80xi32, #tpu.memory_space<vmem>>) semaphore(%run_scoped3A : memref<!tpu.dma_semaphore, #tpu.memory_space<semaphore_mem>>) {add = true}
          %dma_wait3A_120 = arith.constant 0 : i32
          %dma_wait3A_121 = tpu.memref_slice %arg11[%add3A_62, %dma_wait3A_120] : memref<32x80xi32, #tpu.memory_space<vmem>> -> memref<1x80xi32, #tpu.memory_space<vmem>>
          %dma_wait3A_122 = tpu.memref_squeeze %dma_wait3A_121 : memref<1x80xi32, #tpu.memory_space<vmem>> -> memref<80xi32, #tpu.memory_space<vmem>>
          %dma_wait3A_123 = arith.constant 0 : i32
          %dma_wait3A_124 = arith.constant 0 : i32
          %dma_wait3A_125 = tpu.memref_slice %arg9[%dma_wait3A_123, %dma_wait3A_124] : memref<10000x128xf32, #tpu.memory_space<vmem_shared>> -> memref<10000x128xf32, #tpu.memory_space<vmem_shared>>
          tpu.wait_indirect_dma semaphore(%run_scoped3A : memref<!tpu.dma_semaphore, #tpu.memory_space<semaphore_mem>>) src(%arg12 : memref<80x128xf32, #tpu.memory_space<vmem>>) dst(%dma_wait3A_125 : memref<10000x128xf32, #tpu.memory_space<vmem_shared>>)
          tpu.yield
        }) : () -> ()
      } else {
      }
      %add3A_85 = arith.constant 2 : i32
      %add3A_86 = arith.addi %add3A_62, %add3A_85 : i32
      %lt3A_87 = arith.constant 32 : i32
      %lt3A_88 = arith.cmpi slt, %add3A_86, %lt3A_87 : i32
      %convert_element_type3A_89 = arith.extui %lt3A_88 : i1 to i32
      %cond3A_90 = arith.constant 0 : i32
      %cond3A_91 = arith.cmpi ne, %convert_element_type3A_89, %cond3A_90 : i32
      scf.if %cond3A_91 {
        %add3A_114 = arith.constant 2 : i32
        %add3A_115 = arith.addi %add3A_62, %add3A_114 : i32
        %dma_start3A_116 = arith.constant 0 : i32
        %dma_start3A_117 = tpu.memref_slice %arg10[%add3A_115, %dma_start3A_116] : memref<32x80xi32, #tpu.memory_space<vmem>> -> memref<1x80xi32, #tpu.memory_space<vmem>>
        %dma_start3A_118 = tpu.memref_squeeze %dma_start3A_117 : memref<1x80xi32, #tpu.memory_space<vmem>> -> memref<80xi32, #tpu.memory_space<vmem>>
        %dma_start3A_119 = arith.constant 0 : i32
        %dma_start3A_120 = arith.constant 0 : i32
        %dma_start3A_121 = tpu.memref_slice %arg2[%dma_start3A_119, %dma_start3A_120] : memref<10000x128xf32, #tpu.memory_space<hbm>> -> memref<10000x128xf32, #tpu.memory_space<hbm>>
        tpu.enqueue_indirect_dma source(%dma_start3A_121 : memref<10000x128xf32, #tpu.memory_space<hbm>>) target(%arg12 : memref<80x128xf32, #tpu.memory_space<vmem>>) offsets(%dma_start3A_118 : memref<80xi32, #tpu.memory_space<vmem>>) semaphore(%arg15 : memref<!tpu.dma_semaphore, #tpu.memory_space<semaphore_mem>>)
      } else {
      }
      %add3A_92 = arith.constant 1 : i32
      %add3A_93 = arith.addi %add3A_62, %add3A_92 : i32
      %lt3A_94 = arith.constant 32 : i32
      %lt3A_95 = arith.cmpi slt, %add3A_93, %lt3A_94 : i32
      %convert_element_type3A_96 = arith.extui %lt3A_95 : i1 to i32
      %cond3A_97 = arith.constant 0 : i32
      %cond3A_98 = arith.cmpi ne, %convert_element_type3A_96, %cond3A_97 : i32
      scf.if %cond3A_98 {
        %add3A_114 = arith.constant 1 : i32
        %add3A_115 = arith.addi %add3A_62, %add3A_114 : i32
        %get3A = arith.index_cast %add3A_115 : i32 to index
        %get3A_116 = arith.constant 0 : index
        %get3A_117 = tpu.vector_load %arg11[%get3A, %get3A_116] {strides = array<i32>} : memref<32x80xi32, #tpu.memory_space<vmem>>, vector<16xi32>,
        tpu.vector_store_idx %arg14[%get3A_117], %broadcast_in_dim3A_3 {add = true} : memref<10000xf32, #tpu.memory_space<vmem>>[vector<16xi32>], vector<16xf32>,
        %get3A_118 = arith.index_cast %add3A_115 : i32 to index
        %get3A_119 = arith.constant 16 : index
        %get3A_120 = tpu.vector_load %arg11[%get3A_118, %get3A_119] {strides = array<i32>} : memref<32x80xi32, #tpu.memory_space<vmem>>, vector<16xi32>,
        tpu.vector_store_idx %arg14[%get3A_120], %broadcast_in_dim3A_3 {add = true} : memref<10000xf32, #tpu.memory_space<vmem>>[vector<16xi32>], vector<16xf32>,
        %get3A_121 = arith.index_cast %add3A_115 : i32 to index
        %get3A_122 = arith.constant 32 : index
        %get3A_123 = tpu.vector_load %arg11[%get3A_121, %get3A_122] {strides = array<i32>} : memref<32x80xi32, #tpu.memory_space<vmem>>, vector<16xi32>,
        tpu.vector_store_idx %arg14[%get3A_123], %broadcast_in_dim3A_3 {add = true} : memref<10000xf32, #tpu.memory_space<vmem>>[vector<16xi32>], vector<16xf32>,
        %get3A_124 = arith.index_cast %add3A_115 : i32 to index
        %get3A_125 = arith.constant 48 : index
        %get3A_126 = tpu.vector_load %arg11[%get3A_124, %get3A_125] {strides = array<i32>} : memref<32x80xi32, #tpu.memory_space<vmem>>, vector<16xi32>,
        tpu.vector_store_idx %arg14[%get3A_126], %broadcast_in_dim3A_3 {add = true} : memref<10000xf32, #tpu.memory_space<vmem>>[vector<16xi32>], vector<16xf32>,
        %get3A_127 = arith.index_cast %add3A_115 : i32 to index
        %get3A_128 = arith.constant 64 : index
        %get3A_129 = tpu.vector_load %arg11[%get3A_127, %get3A_128] {strides = array<i32>} : memref<32x80xi32, #tpu.memory_space<vmem>>, vector<16xi32>,
        tpu.vector_store_idx %arg14[%get3A_129], %broadcast_in_dim3A_3 {add = true} : memref<10000xf32, #tpu.memory_space<vmem>>[vector<16xi32>], vector<16xf32>,
      } else {
      }
      %add3A_99 = arith.constant 1 : i32
      %add3A_100 = arith.addi %add3A_62, %add3A_99 : i32
      %dma_wait3A_101 = arith.constant 0 : i32
      %dma_wait3A_102 = tpu.memref_slice %arg10[%add3A_100, %dma_wait3A_101] : memref<32x80xi32, #tpu.memory_space<vmem>> -> memref<1x80xi32, #tpu.memory_space<vmem>>
      %dma_wait3A_103 = tpu.memref_squeeze %dma_wait3A_102 : memref<1x80xi32, #tpu.memory_space<vmem>> -> memref<80xi32, #tpu.memory_space<vmem>>
      %dma_wait3A_104 = arith.constant 0 : i32
      %dma_wait3A_105 = arith.constant 0 : i32
      %dma_wait3A_106 = tpu.memref_slice %arg2[%dma_wait3A_104, %dma_wait3A_105] : memref<10000x128xf32, #tpu.memory_space<hbm>> -> memref<10000x128xf32, #tpu.memory_space<hbm>>
      tpu.wait_indirect_dma semaphore(%arg16 : memref<!tpu.dma_semaphore, #tpu.memory_space<semaphore_mem>>) src(%dma_wait3A_106 : memref<10000x128xf32, #tpu.memory_space<hbm>>) dst(%arg13 : memref<80x128xf32, #tpu.memory_space<vmem>>)
      %add3A_107 = arith.constant 1 : i32
      %add3A_108 = arith.addi %add3A_62, %add3A_107 : i32
      %lt3A_109 = arith.constant 32 : i32
      %lt3A_110 = arith.cmpi slt, %add3A_108, %lt3A_109 : i32
      %convert_element_type3A_111 = arith.extui %lt3A_110 : i1 to i32
      %cond3A_112 = arith.constant 0 : i32
      %cond3A_113 = arith.cmpi ne, %convert_element_type3A_111, %cond3A_112 : i32
      scf.if %cond3A_113 {
        %add3A_114 = arith.constant 1 : i32
        %add3A_115 = arith.addi %add3A_62, %add3A_114 : i32
        "tpu.region"() ({
          %run_scoped3A = tpu.sem_alloc : memref<!tpu.dma_semaphore, #tpu.memory_space<semaphore_mem>>
          %dma_start3A_116 = arith.constant 0 : i32
          %dma_start3A_117 = tpu.memref_slice %arg11[%add3A_115, %dma_start3A_116] : memref<32x80xi32, #tpu.memory_space<vmem>> -> memref<1x80xi32, #tpu.memory_space<vmem>>
          %dma_start3A_118 = tpu.memref_squeeze %dma_start3A_117 : memref<1x80xi32, #tpu.memory_space<vmem>> -> memref<80xi32, #tpu.memory_space<vmem>>
          %dma_start3A_119 = arith.constant 0 : i32
          %dma_start3A_120 = arith.constant 0 : i32
          %dma_start3A_121 = tpu.memref_slice %arg9[%dma_start3A_119, %dma_start3A_120] : memref<10000x128xf32, #tpu.memory_space<vmem_shared>> -> memref<10000x128xf32, #tpu.memory_space<vmem_shared>>
          tpu.enqueue_indirect_dma source(%arg13 : memref<80x128xf32, #tpu.memory_space<vmem>>) target(%dma_start3A_121 : memref<10000x128xf32, #tpu.memory_space<vmem_shared>>) offsets(%dma_start3A_118 : memref<80xi32, #tpu.memory_space<vmem>>) semaphore(%run_scoped3A : memref<!tpu.dma_semaphore, #tpu.memory_space<semaphore_mem>>) {add = true}
          %dma_wait3A_122 = arith.constant 0 : i32
          %dma_wait3A_123 = tpu.memref_slice %arg11[%add3A_115, %dma_wait3A_122] : memref<32x80xi32, #tpu.memory_space<vmem>> -> memref<1x80xi32, #tpu.memory_space<vmem>>
          %dma_wait3A_124 = tpu.memref_squeeze %dma_wait3A_123 : memref<1x80xi32, #tpu.memory_space<vmem>> -> memref<80xi32, #tpu.memory_space<vmem>>
          %dma_wait3A_125 = arith.constant 0 : i32
          %dma_wait3A_126 = arith.constant 0 : i32
          %dma_wait3A_127 = tpu.memref_slice %arg9[%dma_wait3A_125, %dma_wait3A_126] : memref<10000x128xf32, #tpu.memory_space<vmem_shared>> -> memref<10000x128xf32, #tpu.memory_space<vmem_shared>>
          tpu.wait_indirect_dma semaphore(%run_scoped3A : memref<!tpu.dma_semaphore, #tpu.memory_space<semaphore_mem>>) src(%arg13 : memref<80x128xf32, #tpu.memory_space<vmem>>) dst(%dma_wait3A_127 : memref<10000x128xf32, #tpu.memory_space<vmem_shared>>)
          tpu.yield
        }) : () -> ()
      } else {
      }
    }
    %scan3A_15 = arith.constant 16 : i32
    "tpu.region"() ({
      %run_scoped3A = tpu.sem_alloc : memref<!tpu.dma_semaphore, #tpu.memory_space<semaphore_mem>>
      %dma_start3A_58 = arith.constant 0 : i32
      %dma_start3A_59 = arith.constant 0 : i32
      %dma_start3A_60 = tpu.memref_slice %arg3[%add3A, %dma_start3A_58, %dma_start3A_59] : memref<32x128x80xi32, #tpu.memory_space<hbm>> -> memref<1x128x80xi32, #tpu.memory_space<hbm>>
      %dma_start3A_61 = tpu.memref_squeeze %dma_start3A_60 : memref<1x128x80xi32, #tpu.memory_space<hbm>> -> memref<128x80xi32, #tpu.memory_space<hbm>>
      %dma_start3A_62 = arith.constant 32 : i32
      %dma_start3A_63 = arith.constant 0 : i32
      %dma_start3A_64 = tpu.memref_slice %dma_start3A_61[%dma_start3A_62, %dma_start3A_63] : memref<128x80xi32, #tpu.memory_space<hbm>> -> memref<32x80xi32, #tpu.memory_space<hbm>>
      %dma_start3A_65 = arith.constant 0 : i32
      %dma_start3A_66 = arith.constant 0 : i32
      %dma_start3A_67 = tpu.memref_slice %arg3[%add3A, %dma_start3A_65, %dma_start3A_66] : memref<32x128x80xi32, #tpu.memory_space<hbm>> -> memref<1x128x80xi32, #tpu.memory_space<hbm>>
      %dma_start3A_68 = tpu.memref_squeeze %dma_start3A_67 : memref<1x128x80xi32, #tpu.memory_space<hbm>> -> memref<128x80xi32, #tpu.memory_space<hbm>>
      %dma_start3A_69 = arith.constant 32 : i32
      %dma_start3A_70 = arith.constant 0 : i32
      %dma_start3A_71 = tpu.memref_slice %dma_start3A_68[%dma_start3A_69, %dma_start3A_70] : memref<128x80xi32, #tpu.memory_space<hbm>> -> memref<32x80xi32, #tpu.memory_space<hbm>>
      tpu.enqueue_dma source(%dma_start3A_71 : memref<32x80xi32, #tpu.memory_space<hbm>>) target(%arg10 : memref<32x80xi32, #tpu.memory_space<vmem>>) target_semaphore(%run_scoped3A : memref<!tpu.dma_semaphore, #tpu.memory_space<semaphore_mem>>)
      %dma_wait3A = arith.constant 0 : i32
      %dma_wait3A_72 = arith.constant 0 : i32
      %dma_wait3A_73 = tpu.memref_slice %arg3[%add3A, %dma_wait3A, %dma_wait3A_72] : memref<32x128x80xi32, #tpu.memory_space<hbm>> -> memref<1x128x80xi32, #tpu.memory_space<hbm>>
      %dma_wait3A_74 = tpu.memref_squeeze %dma_wait3A_73 : memref<1x128x80xi32, #tpu.memory_space<hbm>> -> memref<128x80xi32, #tpu.memory_space<hbm>>
      %dma_wait3A_75 = arith.constant 32 : i32
      %dma_wait3A_76 = arith.constant 0 : i32
      %dma_wait3A_77 = tpu.memref_slice %dma_wait3A_74[%dma_wait3A_75, %dma_wait3A_76] : memref<128x80xi32, #tpu.memory_space<hbm>> -> memref<32x80xi32, #tpu.memory_space<hbm>>
      %dma_wait3A_78 = arith.constant 0 : i32
      %dma_wait3A_79 = arith.constant 0 : i32
      %dma_wait3A_80 = tpu.memref_slice %arg3[%add3A, %dma_wait3A_78, %dma_wait3A_79] : memref<32x128x80xi32, #tpu.memory_space<hbm>> -> memref<1x128x80xi32, #tpu.memory_space<hbm>>
      %dma_wait3A_81 = tpu.memref_squeeze %dma_wait3A_80 : memref<1x128x80xi32, #tpu.memory_space<hbm>> -> memref<128x80xi32, #tpu.memory_space<hbm>>
      %dma_wait3A_82 = arith.constant 32 : i32
      %dma_wait3A_83 = arith.constant 0 : i32
      %dma_wait3A_84 = tpu.memref_slice %dma_wait3A_81[%dma_wait3A_82, %dma_wait3A_83] : memref<128x80xi32, #tpu.memory_space<hbm>> -> memref<32x80xi32, #tpu.memory_space<hbm>>
      tpu.wait_dma2 semaphore(%run_scoped3A : memref<!tpu.dma_semaphore, #tpu.memory_space<semaphore_mem>>) src(%dma_wait3A_84 : memref<32x80xi32, #tpu.memory_space<hbm>>) dst(%arg10 : memref<32x80xi32, #tpu.memory_space<vmem>>)
      tpu.yield
    }) : () -> ()
    "tpu.region"() ({
      %run_scoped3A = tpu.sem_alloc : memref<!tpu.dma_semaphore, #tpu.memory_space<semaphore_mem>>
      %dma_start3A_58 = arith.constant 0 : i32
      %dma_start3A_59 = arith.constant 0 : i32
      %dma_start3A_60 = tpu.memref_slice %arg4[%add3A, %dma_start3A_58, %dma_start3A_59] : memref<32x128x80xi32, #tpu.memory_space<hbm>> -> memref<1x128x80xi32, #tpu.memory_space<hbm>>
      %dma_start3A_61 = tpu.memref_squeeze %dma_start3A_60 : memref<1x128x80xi32, #tpu.memory_space<hbm>> -> memref<128x80xi32, #tpu.memory_space<hbm>>
      %dma_start3A_62 = arith.constant 32 : i32
      %dma_start3A_63 = arith.constant 0 : i32
      %dma_start3A_64 = tpu.memref_slice %dma_start3A_61[%dma_start3A_62, %dma_start3A_63] : memref<128x80xi32, #tpu.memory_space<hbm>> -> memref<32x80xi32, #tpu.memory_space<hbm>>
      %dma_start3A_65 = arith.constant 0 : i32
      %dma_start3A_66 = arith.constant 0 : i32
      %dma_start3A_67 = tpu.memref_slice %arg4[%add3A, %dma_start3A_65, %dma_start3A_66] : memref<32x128x80xi32, #tpu.memory_space<hbm>> -> memref<1x128x80xi32, #tpu.memory_space<hbm>>
      %dma_start3A_68 = tpu.memref_squeeze %dma_start3A_67 : memref<1x128x80xi32, #tpu.memory_space<hbm>> -> memref<128x80xi32, #tpu.memory_space<hbm>>
      %dma_start3A_69 = arith.constant 32 : i32
      %dma_start3A_70 = arith.constant 0 : i32
      %dma_start3A_71 = tpu.memref_slice %dma_start3A_68[%dma_start3A_69, %dma_start3A_70] : memref<128x80xi32, #tpu.memory_space<hbm>> -> memref<32x80xi32, #tpu.memory_space<hbm>>
      tpu.enqueue_dma source(%dma_start3A_71 : memref<32x80xi32, #tpu.memory_space<hbm>>) target(%arg11 : memref<32x80xi32, #tpu.memory_space<vmem>>) target_semaphore(%run_scoped3A : memref<!tpu.dma_semaphore, #tpu.memory_space<semaphore_mem>>)
      %dma_wait3A = arith.constant 0 : i32
      %dma_wait3A_72 = arith.constant 0 : i32
      %dma_wait3A_73 = tpu.memref_slice %arg4[%add3A, %dma_wait3A, %dma_wait3A_72] : memref<32x128x80xi32, #tpu.memory_space<hbm>> -> memref<1x128x80xi32, #tpu.memory_space<hbm>>
      %dma_wait3A_74 = tpu.memref_squeeze %dma_wait3A_73 : memref<1x128x80xi32, #tpu.memory_space<hbm>> -> memref<128x80xi32, #tpu.memory_space<hbm>>
      %dma_wait3A_75 = arith.constant 32 : i32
      %dma_wait3A_76 = arith.constant 0 : i32
      %dma_wait3A_77 = tpu.memref_slice %dma_wait3A_74[%dma_wait3A_75, %dma_wait3A_76] : memref<128x80xi32, #tpu.memory_space<hbm>> -> memref<32x80xi32, #tpu.memory_space<hbm>>
      %dma_wait3A_78 = arith.constant 0 : i32
      %dma_wait3A_79 = arith.constant 0 : i32
      %dma_wait3A_80 = tpu.memref_slice %arg4[%add3A, %dma_wait3A_78, %dma_wait3A_79] : memref<32x128x80xi32, #tpu.memory_space<hbm>> -> memref<1x128x80xi32, #tpu.memory_space<hbm>>
      %dma_wait3A_81 = tpu.memref_squeeze %dma_wait3A_80 : memref<1x128x80xi32, #tpu.memory_space<hbm>> -> memref<128x80xi32, #tpu.memory_space<hbm>>
      %dma_wait3A_82 = arith.constant 32 : i32
      %dma_wait3A_83 = arith.constant 0 : i32
      %dma_wait3A_84 = tpu.memref_slice %dma_wait3A_81[%dma_wait3A_82, %dma_wait3A_83] : memref<128x80xi32, #tpu.memory_space<hbm>> -> memref<32x80xi32, #tpu.memory_space<hbm>>
      tpu.wait_dma2 semaphore(%run_scoped3A : memref<!tpu.dma_semaphore, #tpu.memory_space<semaphore_mem>>) src(%dma_wait3A_84 : memref<32x80xi32, #tpu.memory_space<hbm>>) dst(%arg11 : memref<32x80xi32, #tpu.memory_space<vmem>>)
      tpu.yield
    }) : () -> ()
    %dma_start3A_16 = arith.constant 0 : i32
    %dma_start3A_17 = arith.constant 0 : i32
    %dma_start3A_18 = tpu.memref_slice %arg10[%dma_start3A_16, %dma_start3A_17] : memref<32x80xi32, #tpu.memory_space<vmem>> -> memref<1x80xi32, #tpu.memory_space<vmem>>
    %dma_start3A_19 = tpu.memref_squeeze %dma_start3A_18 : memref<1x80xi32, #tpu.memory_space<vmem>> -> memref<80xi32, #tpu.memory_space<vmem>>
    %dma_start3A_20 = arith.constant 0 : i32
    %dma_start3A_21 = arith.constant 0 : i32
    %dma_start3A_22 = tpu.memref_slice %arg2[%dma_start3A_20, %dma_start3A_21] : memref<10000x128xf32, #tpu.memory_space<hbm>> -> memref<10000x128xf32, #tpu.memory_space<hbm>>
    tpu.enqueue_indirect_dma source(%dma_start3A_22 : memref<10000x128xf32, #tpu.memory_space<hbm>>) target(%arg12 : memref<80x128xf32, #tpu.memory_space<vmem>>) offsets(%dma_start3A_19 : memref<80xi32, #tpu.memory_space<vmem>>) semaphore(%arg15 : memref<!tpu.dma_semaphore, #tpu.memory_space<semaphore_mem>>)
    %scan3A_23 = arith.constant 0 : i32
    %scan3A_24 = arith.constant 16 : i32
    %scan3A_25 = arith.addi %scan3A_23, %scan3A_24 : i32
    %scan3A_26 = arith.constant 1 : i32
    scf.for %scan3A_58 = %scan3A_23 to %scan3A_25 step %scan3A_26  : i32 {
      %mul3A_59 = arith.constant 2 : i32
      %mul3A_60 = arith.muli %scan3A_58, %mul3A_59 : i32
      %add3A_61 = arith.constant 0 : i32
      %add3A_62 = arith.addi %add3A_61, %mul3A_60 : i32
      %add3A_63 = arith.constant 1 : i32
      %add3A_64 = arith.addi %add3A_62, %add3A_63 : i32
      %dma_start3A_65 = arith.constant 0 : i32
      %dma_start3A_66 = tpu.memref_slice %arg10[%add3A_64, %dma_start3A_65] : memref<32x80xi32, #tpu.memory_space<vmem>> -> memref<1x80xi32, #tpu.memory_space<vmem>>
      %dma_start3A_67 = tpu.memref_squeeze %dma_start3A_66 : memref<1x80xi32, #tpu.memory_space<vmem>> -> memref<80xi32, #tpu.memory_space<vmem>>
      %dma_start3A_68 = arith.constant 0 : i32
      %dma_start3A_69 = arith.constant 0 : i32
      %dma_start3A_70 = tpu.memref_slice %arg2[%dma_start3A_68, %dma_start3A_69] : memref<10000x128xf32, #tpu.memory_space<hbm>> -> memref<10000x128xf32, #tpu.memory_space<hbm>>
      tpu.enqueue_indirect_dma source(%dma_start3A_70 : memref<10000x128xf32, #tpu.memory_space<hbm>>) target(%arg13 : memref<80x128xf32, #tpu.memory_space<vmem>>) offsets(%dma_start3A_67 : memref<80xi32, #tpu.memory_space<vmem>>) semaphore(%arg16 : memref<!tpu.dma_semaphore, #tpu.memory_space<semaphore_mem>>)
      %lt3A = arith.constant 32 : i32
      %lt3A_71 = arith.cmpi slt, %add3A_62, %lt3A : i32
      %convert_element_type3A_72 = arith.extui %lt3A_71 : i1 to i32
      %cond3A_73 = arith.constant 0 : i32
      %cond3A_74 = arith.cmpi ne, %convert_element_type3A_72, %cond3A_73 : i32
      scf.if %cond3A_74 {
        %get3A = arith.index_cast %add3A_62 : i32 to index
        %get3A_114 = arith.constant 0 : index
        %get3A_115 = tpu.vector_load %arg11[%get3A, %get3A_114] {strides = array<i32>} : memref<32x80xi32, #tpu.memory_space<vmem>>, vector<16xi32>,
        tpu.vector_store_idx %arg14[%get3A_115], %broadcast_in_dim3A_3 {add = true} : memref<10000xf32, #tpu.memory_space<vmem>>[vector<16xi32>], vector<16xf32>,
        %get3A_116 = arith.index_cast %add3A_62 : i32 to index
        %get3A_117 = arith.constant 16 : index
        %get3A_118 = tpu.vector_load %arg11[%get3A_116, %get3A_117] {strides = array<i32>} : memref<32x80xi32, #tpu.memory_space<vmem>>, vector<16xi32>,
        tpu.vector_store_idx %arg14[%get3A_118], %broadcast_in_dim3A_3 {add = true} : memref<10000xf32, #tpu.memory_space<vmem>>[vector<16xi32>], vector<16xf32>,
        %get3A_119 = arith.index_cast %add3A_62 : i32 to index
        %get3A_120 = arith.constant 32 : index
        %get3A_121 = tpu.vector_load %arg11[%get3A_119, %get3A_120] {strides = array<i32>} : memref<32x80xi32, #tpu.memory_space<vmem>>, vector<16xi32>,
        tpu.vector_store_idx %arg14[%get3A_121], %broadcast_in_dim3A_3 {add = true} : memref<10000xf32, #tpu.memory_space<vmem>>[vector<16xi32>], vector<16xf32>,
        %get3A_122 = arith.index_cast %add3A_62 : i32 to index
        %get3A_123 = arith.constant 48 : index
        %get3A_124 = tpu.vector_load %arg11[%get3A_122, %get3A_123] {strides = array<i32>} : memref<32x80xi32, #tpu.memory_space<vmem>>, vector<16xi32>,
        tpu.vector_store_idx %arg14[%get3A_124], %broadcast_in_dim3A_3 {add = true} : memref<10000xf32, #tpu.memory_space<vmem>>[vector<16xi32>], vector<16xf32>,
        %get3A_125 = arith.index_cast %add3A_62 : i32 to index
        %get3A_126 = arith.constant 64 : index
        %get3A_127 = tpu.vector_load %arg11[%get3A_125, %get3A_126] {strides = array<i32>} : memref<32x80xi32, #tpu.memory_space<vmem>>, vector<16xi32>,
        tpu.vector_store_idx %arg14[%get3A_127], %broadcast_in_dim3A_3 {add = true} : memref<10000xf32, #tpu.memory_space<vmem>>[vector<16xi32>], vector<16xf32>,
      } else {
      }
      %dma_wait3A = arith.constant 0 : i32
      %dma_wait3A_75 = tpu.memref_slice %arg10[%add3A_62, %dma_wait3A] : memref<32x80xi32, #tpu.memory_space<vmem>> -> memref<1x80xi32, #tpu.memory_space<vmem>>
      %dma_wait3A_76 = tpu.memref_squeeze %dma_wait3A_75 : memref<1x80xi32, #tpu.memory_space<vmem>> -> memref<80xi32, #tpu.memory_space<vmem>>
      %dma_wait3A_77 = arith.constant 0 : i32
      %dma_wait3A_78 = arith.constant 0 : i32
      %dma_wait3A_79 = tpu.memref_slice %arg2[%dma_wait3A_77, %dma_wait3A_78] : memref<10000x128xf32, #tpu.memory_space<hbm>> -> memref<10000x128xf32, #tpu.memory_space<hbm>>
      tpu.wait_indirect_dma semaphore(%arg15 : memref<!tpu.dma_semaphore, #tpu.memory_space<semaphore_mem>>) src(%dma_wait3A_79 : memref<10000x128xf32, #tpu.memory_space<hbm>>) dst(%arg12 : memref<80x128xf32, #tpu.memory_space<vmem>>)
      %lt3A_80 = arith.constant 32 : i32
      %lt3A_81 = arith.cmpi slt, %add3A_62, %lt3A_80 : i32
      %convert_element_type3A_82 = arith.extui %lt3A_81 : i1 to i32
      %cond3A_83 = arith.constant 0 : i32
      %cond3A_84 = arith.cmpi ne, %convert_element_type3A_82, %cond3A_83 : i32
      scf.if %cond3A_84 {
        "tpu.region"() ({
          %run_scoped3A = tpu.sem_alloc : memref<!tpu.dma_semaphore, #tpu.memory_space<semaphore_mem>>
          %dma_start3A_114 = arith.constant 0 : i32
          %dma_start3A_115 = tpu.memref_slice %arg11[%add3A_62, %dma_start3A_114] : memref<32x80xi32, #tpu.memory_space<vmem>> -> memref<1x80xi32, #tpu.memory_space<vmem>>
          %dma_start3A_116 = tpu.memref_squeeze %dma_start3A_115 : memref<1x80xi32, #tpu.memory_space<vmem>> -> memref<80xi32, #tpu.memory_space<vmem>>
          %dma_start3A_117 = arith.constant 0 : i32
          %dma_start3A_118 = arith.constant 0 : i32
          %dma_start3A_119 = tpu.memref_slice %arg9[%dma_start3A_117, %dma_start3A_118] : memref<10000x128xf32, #tpu.memory_space<vmem_shared>> -> memref<10000x128xf32, #tpu.memory_space<vmem_shared>>
          tpu.enqueue_indirect_dma source(%arg12 : memref<80x128xf32, #tpu.memory_space<vmem>>) target(%dma_start3A_119 : memref<10000x128xf32, #tpu.memory_space<vmem_shared>>) offsets(%dma_start3A_116 : memref<80xi32, #tpu.memory_space<vmem>>) semaphore(%run_scoped3A : memref<!tpu.dma_semaphore, #tpu.memory_space<semaphore_mem>>) {add = true}
          %dma_wait3A_120 = arith.constant 0 : i32
          %dma_wait3A_121 = tpu.memref_slice %arg11[%add3A_62, %dma_wait3A_120] : memref<32x80xi32, #tpu.memory_space<vmem>> -> memref<1x80xi32, #tpu.memory_space<vmem>>
          %dma_wait3A_122 = tpu.memref_squeeze %dma_wait3A_121 : memref<1x80xi32, #tpu.memory_space<vmem>> -> memref<80xi32, #tpu.memory_space<vmem>>
          %dma_wait3A_123 = arith.constant 0 : i32
          %dma_wait3A_124 = arith.constant 0 : i32
          %dma_wait3A_125 = tpu.memref_slice %arg9[%dma_wait3A_123, %dma_wait3A_124] : memref<10000x128xf32, #tpu.memory_space<vmem_shared>> -> memref<10000x128xf32, #tpu.memory_space<vmem_shared>>
          tpu.wait_indirect_dma semaphore(%run_scoped3A : memref<!tpu.dma_semaphore, #tpu.memory_space<semaphore_mem>>) src(%arg12 : memref<80x128xf32, #tpu.memory_space<vmem>>) dst(%dma_wait3A_125 : memref<10000x128xf32, #tpu.memory_space<vmem_shared>>)
          tpu.yield
        }) : () -> ()
      } else {
      }
      %add3A_85 = arith.constant 2 : i32
      %add3A_86 = arith.addi %add3A_62, %add3A_85 : i32
      %lt3A_87 = arith.constant 32 : i32
      %lt3A_88 = arith.cmpi slt, %add3A_86, %lt3A_87 : i32
      %convert_element_type3A_89 = arith.extui %lt3A_88 : i1 to i32
      %cond3A_90 = arith.constant 0 : i32
      %cond3A_91 = arith.cmpi ne, %convert_element_type3A_89, %cond3A_90 : i32
      scf.if %cond3A_91 {
        %add3A_114 = arith.constant 2 : i32
        %add3A_115 = arith.addi %add3A_62, %add3A_114 : i32
        %dma_start3A_116 = arith.constant 0 : i32
        %dma_start3A_117 = tpu.memref_slice %arg10[%add3A_115, %dma_start3A_116] : memref<32x80xi32, #tpu.memory_space<vmem>> -> memref<1x80xi32, #tpu.memory_space<vmem>>
        %dma_start3A_118 = tpu.memref_squeeze %dma_start3A_117 : memref<1x80xi32, #tpu.memory_space<vmem>> -> memref<80xi32, #tpu.memory_space<vmem>>
        %dma_start3A_119 = arith.constant 0 : i32
        %dma_start3A_120 = arith.constant 0 : i32
        %dma_start3A_121 = tpu.memref_slice %arg2[%dma_start3A_119, %dma_start3A_120] : memref<10000x128xf32, #tpu.memory_space<hbm>> -> memref<10000x128xf32, #tpu.memory_space<hbm>>
        tpu.enqueue_indirect_dma source(%dma_start3A_121 : memref<10000x128xf32, #tpu.memory_space<hbm>>) target(%arg12 : memref<80x128xf32, #tpu.memory_space<vmem>>) offsets(%dma_start3A_118 : memref<80xi32, #tpu.memory_space<vmem>>) semaphore(%arg15 : memref<!tpu.dma_semaphore, #tpu.memory_space<semaphore_mem>>)
      } else {
      }
      %add3A_92 = arith.constant 1 : i32
      %add3A_93 = arith.addi %add3A_62, %add3A_92 : i32
      %lt3A_94 = arith.constant 32 : i32
      %lt3A_95 = arith.cmpi slt, %add3A_93, %lt3A_94 : i32
      %convert_element_type3A_96 = arith.extui %lt3A_95 : i1 to i32
      %cond3A_97 = arith.constant 0 : i32
      %cond3A_98 = arith.cmpi ne, %convert_element_type3A_96, %cond3A_97 : i32
      scf.if %cond3A_98 {
        %add3A_114 = arith.constant 1 : i32
        %add3A_115 = arith.addi %add3A_62, %add3A_114 : i32
        %get3A = arith.index_cast %add3A_115 : i32 to index
        %get3A_116 = arith.constant 0 : index
        %get3A_117 = tpu.vector_load %arg11[%get3A, %get3A_116] {strides = array<i32>} : memref<32x80xi32, #tpu.memory_space<vmem>>, vector<16xi32>,
        tpu.vector_store_idx %arg14[%get3A_117], %broadcast_in_dim3A_3 {add = true} : memref<10000xf32, #tpu.memory_space<vmem>>[vector<16xi32>], vector<16xf32>,
        %get3A_118 = arith.index_cast %add3A_115 : i32 to index
        %get3A_119 = arith.constant 16 : index
        %get3A_120 = tpu.vector_load %arg11[%get3A_118, %get3A_119] {strides = array<i32>} : memref<32x80xi32, #tpu.memory_space<vmem>>, vector<16xi32>,
        tpu.vector_store_idx %arg14[%get3A_120], %broadcast_in_dim3A_3 {add = true} : memref<10000xf32, #tpu.memory_space<vmem>>[vector<16xi32>], vector<16xf32>,
        %get3A_121 = arith.index_cast %add3A_115 : i32 to index
        %get3A_122 = arith.constant 32 : index
        %get3A_123 = tpu.vector_load %arg11[%get3A_121, %get3A_122] {strides = array<i32>} : memref<32x80xi32, #tpu.memory_space<vmem>>, vector<16xi32>,
        tpu.vector_store_idx %arg14[%get3A_123], %broadcast_in_dim3A_3 {add = true} : memref<10000xf32, #tpu.memory_space<vmem>>[vector<16xi32>], vector<16xf32>,
        %get3A_124 = arith.index_cast %add3A_115 : i32 to index
        %get3A_125 = arith.constant 48 : index
        %get3A_126 = tpu.vector_load %arg11[%get3A_124, %get3A_125] {strides = array<i32>} : memref<32x80xi32, #tpu.memory_space<vmem>>, vector<16xi32>,
        tpu.vector_store_idx %arg14[%get3A_126], %broadcast_in_dim3A_3 {add = true} : memref<10000xf32, #tpu.memory_space<vmem>>[vector<16xi32>], vector<16xf32>,
        %get3A_127 = arith.index_cast %add3A_115 : i32 to index
        %get3A_128 = arith.constant 64 : index
        %get3A_129 = tpu.vector_load %arg11[%get3A_127, %get3A_128] {strides = array<i32>} : memref<32x80xi32, #tpu.memory_space<vmem>>, vector<16xi32>,
        tpu.vector_store_idx %arg14[%get3A_129], %broadcast_in_dim3A_3 {add = true} : memref<10000xf32, #tpu.memory_space<vmem>>[vector<16xi32>], vector<16xf32>,
      } else {
      }
      %add3A_99 = arith.constant 1 : i32
      %add3A_100 = arith.addi %add3A_62, %add3A_99 : i32
      %dma_wait3A_101 = arith.constant 0 : i32
      %dma_wait3A_102 = tpu.memref_slice %arg10[%add3A_100, %dma_wait3A_101] : memref<32x80xi32, #tpu.memory_space<vmem>> -> memref<1x80xi32, #tpu.memory_space<vmem>>
      %dma_wait3A_103 = tpu.memref_squeeze %dma_wait3A_102 : memref<1x80xi32, #tpu.memory_space<vmem>> -> memref<80xi32, #tpu.memory_space<vmem>>
      %dma_wait3A_104 = arith.constant 0 : i32
      %dma_wait3A_105 = arith.constant 0 : i32
      %dma_wait3A_106 = tpu.memref_slice %arg2[%dma_wait3A_104, %dma_wait3A_105] : memref<10000x128xf32, #tpu.memory_space<hbm>> -> memref<10000x128xf32, #tpu.memory_space<hbm>>
      tpu.wait_indirect_dma semaphore(%arg16 : memref<!tpu.dma_semaphore, #tpu.memory_space<semaphore_mem>>) src(%dma_wait3A_106 : memref<10000x128xf32, #tpu.memory_space<hbm>>) dst(%arg13 : memref<80x128xf32, #tpu.memory_space<vmem>>)
      %add3A_107 = arith.constant 1 : i32
      %add3A_108 = arith.addi %add3A_62, %add3A_107 : i32
      %lt3A_109 = arith.constant 32 : i32
      %lt3A_110 = arith.cmpi slt, %add3A_108, %lt3A_109 : i32
      %convert_element_type3A_111 = arith.extui %lt3A_110 : i1 to i32
      %cond3A_112 = arith.constant 0 : i32
      %cond3A_113 = arith.cmpi ne, %convert_element_type3A_111, %cond3A_112 : i32
      scf.if %cond3A_113 {
        %add3A_114 = arith.constant 1 : i32
        %add3A_115 = arith.addi %add3A_62, %add3A_114 : i32
        "tpu.region"() ({
          %run_scoped3A = tpu.sem_alloc : memref<!tpu.dma_semaphore, #tpu.memory_space<semaphore_mem>>
          %dma_start3A_116 = arith.constant 0 : i32
          %dma_start3A_117 = tpu.memref_slice %arg11[%add3A_115, %dma_start3A_116] : memref<32x80xi32, #tpu.memory_space<vmem>> -> memref<1x80xi32, #tpu.memory_space<vmem>>
          %dma_start3A_118 = tpu.memref_squeeze %dma_start3A_117 : memref<1x80xi32, #tpu.memory_space<vmem>> -> memref<80xi32, #tpu.memory_space<vmem>>
          %dma_start3A_119 = arith.constant 0 : i32
          %dma_start3A_120 = arith.constant 0 : i32
          %dma_start3A_121 = tpu.memref_slice %arg9[%dma_start3A_119, %dma_start3A_120] : memref<10000x128xf32, #tpu.memory_space<vmem_shared>> -> memref<10000x128xf32, #tpu.memory_space<vmem_shared>>
          tpu.enqueue_indirect_dma source(%arg13 : memref<80x128xf32, #tpu.memory_space<vmem>>) target(%dma_start3A_121 : memref<10000x128xf32, #tpu.memory_space<vmem_shared>>) offsets(%dma_start3A_118 : memref<80xi32, #tpu.memory_space<vmem>>) semaphore(%run_scoped3A : memref<!tpu.dma_semaphore, #tpu.memory_space<semaphore_mem>>) {add = true}
          %dma_wait3A_122 = arith.constant 0 : i32
          %dma_wait3A_123 = tpu.memref_slice %arg11[%add3A_115, %dma_wait3A_122] : memref<32x80xi32, #tpu.memory_space<vmem>> -> memref<1x80xi32, #tpu.memory_space<vmem>>
          %dma_wait3A_124 = tpu.memref_squeeze %dma_wait3A_123 : memref<1x80xi32, #tpu.memory_space<vmem>> -> memref<80xi32, #tpu.memory_space<vmem>>
          %dma_wait3A_125 = arith.constant 0 : i32
          %dma_wait3A_126 = arith.constant 0 : i32
          %dma_wait3A_127 = tpu.memref_slice %arg9[%dma_wait3A_125, %dma_wait3A_126] : memref<10000x128xf32, #tpu.memory_space<vmem_shared>> -> memref<10000x128xf32, #tpu.memory_space<vmem_shared>>
          tpu.wait_indirect_dma semaphore(%run_scoped3A : memref<!tpu.dma_semaphore, #tpu.memory_space<semaphore_mem>>) src(%arg13 : memref<80x128xf32, #tpu.memory_space<vmem>>) dst(%dma_wait3A_127 : memref<10000x128xf32, #tpu.memory_space<vmem_shared>>)
          tpu.yield
        }) : () -> ()
      } else {
      }
    }
    %scan3A_27 = arith.constant 16 : i32
    "tpu.region"() ({
      %run_scoped3A = tpu.sem_alloc : memref<!tpu.dma_semaphore, #tpu.memory_space<semaphore_mem>>
      %dma_start3A_58 = arith.constant 0 : i32
      %dma_start3A_59 = arith.constant 0 : i32
      %dma_start3A_60 = tpu.memref_slice %arg3[%add3A, %dma_start3A_58, %dma_start3A_59] : memref<32x128x80xi32, #tpu.memory_space<hbm>> -> memref<1x128x80xi32, #tpu.memory_space<hbm>>
      %dma_start3A_61 = tpu.memref_squeeze %dma_start3A_60 : memref<1x128x80xi32, #tpu.memory_space<hbm>> -> memref<128x80xi32, #tpu.memory_space<hbm>>
      %dma_start3A_62 = arith.constant 64 : i32
      %dma_start3A_63 = arith.constant 0 : i32
      %dma_start3A_64 = tpu.memref_slice %dma_start3A_61[%dma_start3A_62, %dma_start3A_63] : memref<128x80xi32, #tpu.memory_space<hbm>> -> memref<32x80xi32, #tpu.memory_space<hbm>>
      %dma_start3A_65 = arith.constant 0 : i32
      %dma_start3A_66 = arith.constant 0 : i32
      %dma_start3A_67 = tpu.memref_slice %arg3[%add3A, %dma_start3A_65, %dma_start3A_66] : memref<32x128x80xi32, #tpu.memory_space<hbm>> -> memref<1x128x80xi32, #tpu.memory_space<hbm>>
      %dma_start3A_68 = tpu.memref_squeeze %dma_start3A_67 : memref<1x128x80xi32, #tpu.memory_space<hbm>> -> memref<128x80xi32, #tpu.memory_space<hbm>>
      %dma_start3A_69 = arith.constant 64 : i32
      %dma_start3A_70 = arith.constant 0 : i32
      %dma_start3A_71 = tpu.memref_slice %dma_start3A_68[%dma_start3A_69, %dma_start3A_70] : memref<128x80xi32, #tpu.memory_space<hbm>> -> memref<32x80xi32, #tpu.memory_space<hbm>>
      tpu.enqueue_dma source(%dma_start3A_71 : memref<32x80xi32, #tpu.memory_space<hbm>>) target(%arg10 : memref<32x80xi32, #tpu.memory_space<vmem>>) target_semaphore(%run_scoped3A : memref<!tpu.dma_semaphore, #tpu.memory_space<semaphore_mem>>)
      %dma_wait3A = arith.constant 0 : i32
      %dma_wait3A_72 = arith.constant 0 : i32
      %dma_wait3A_73 = tpu.memref_slice %arg3[%add3A, %dma_wait3A, %dma_wait3A_72] : memref<32x128x80xi32, #tpu.memory_space<hbm>> -> memref<1x128x80xi32, #tpu.memory_space<hbm>>
      %dma_wait3A_74 = tpu.memref_squeeze %dma_wait3A_73 : memref<1x128x80xi32, #tpu.memory_space<hbm>> -> memref<128x80xi32, #tpu.memory_space<hbm>>
      %dma_wait3A_75 = arith.constant 64 : i32
      %dma_wait3A_76 = arith.constant 0 : i32
      %dma_wait3A_77 = tpu.memref_slice %dma_wait3A_74[%dma_wait3A_75, %dma_wait3A_76] : memref<128x80xi32, #tpu.memory_space<hbm>> -> memref<32x80xi32, #tpu.memory_space<hbm>>
      %dma_wait3A_78 = arith.constant 0 : i32
      %dma_wait3A_79 = arith.constant 0 : i32
      %dma_wait3A_80 = tpu.memref_slice %arg3[%add3A, %dma_wait3A_78, %dma_wait3A_79] : memref<32x128x80xi32, #tpu.memory_space<hbm>> -> memref<1x128x80xi32, #tpu.memory_space<hbm>>
      %dma_wait3A_81 = tpu.memref_squeeze %dma_wait3A_80 : memref<1x128x80xi32, #tpu.memory_space<hbm>> -> memref<128x80xi32, #tpu.memory_space<hbm>>
      %dma_wait3A_82 = arith.constant 64 : i32
      %dma_wait3A_83 = arith.constant 0 : i32
      %dma_wait3A_84 = tpu.memref_slice %dma_wait3A_81[%dma_wait3A_82, %dma_wait3A_83] : memref<128x80xi32, #tpu.memory_space<hbm>> -> memref<32x80xi32, #tpu.memory_space<hbm>>
      tpu.wait_dma2 semaphore(%run_scoped3A : memref<!tpu.dma_semaphore, #tpu.memory_space<semaphore_mem>>) src(%dma_wait3A_84 : memref<32x80xi32, #tpu.memory_space<hbm>>) dst(%arg10 : memref<32x80xi32, #tpu.memory_space<vmem>>)
      tpu.yield
    }) : () -> ()
    "tpu.region"() ({
      %run_scoped3A = tpu.sem_alloc : memref<!tpu.dma_semaphore, #tpu.memory_space<semaphore_mem>>
      %dma_start3A_58 = arith.constant 0 : i32
      %dma_start3A_59 = arith.constant 0 : i32
      %dma_start3A_60 = tpu.memref_slice %arg4[%add3A, %dma_start3A_58, %dma_start3A_59] : memref<32x128x80xi32, #tpu.memory_space<hbm>> -> memref<1x128x80xi32, #tpu.memory_space<hbm>>
      %dma_start3A_61 = tpu.memref_squeeze %dma_start3A_60 : memref<1x128x80xi32, #tpu.memory_space<hbm>> -> memref<128x80xi32, #tpu.memory_space<hbm>>
      %dma_start3A_62 = arith.constant 64 : i32
      %dma_start3A_63 = arith.constant 0 : i32
      %dma_start3A_64 = tpu.memref_slice %dma_start3A_61[%dma_start3A_62, %dma_start3A_63] : memref<128x80xi32, #tpu.memory_space<hbm>> -> memref<32x80xi32, #tpu.memory_space<hbm>>
      %dma_start3A_65 = arith.constant 0 : i32
      %dma_start3A_66 = arith.constant 0 : i32
      %dma_start3A_67 = tpu.memref_slice %arg4[%add3A, %dma_start3A_65, %dma_start3A_66] : memref<32x128x80xi32, #tpu.memory_space<hbm>> -> memref<1x128x80xi32, #tpu.memory_space<hbm>>
      %dma_start3A_68 = tpu.memref_squeeze %dma_start3A_67 : memref<1x128x80xi32, #tpu.memory_space<hbm>> -> memref<128x80xi32, #tpu.memory_space<hbm>>
      %dma_start3A_69 = arith.constant 64 : i32
      %dma_start3A_70 = arith.constant 0 : i32
      %dma_start3A_71 = tpu.memref_slice %dma_start3A_68[%dma_start3A_69, %dma_start3A_70] : memref<128x80xi32, #tpu.memory_space<hbm>> -> memref<32x80xi32, #tpu.memory_space<hbm>>
      tpu.enqueue_dma source(%dma_start3A_71 : memref<32x80xi32, #tpu.memory_space<hbm>>) target(%arg11 : memref<32x80xi32, #tpu.memory_space<vmem>>) target_semaphore(%run_scoped3A : memref<!tpu.dma_semaphore, #tpu.memory_space<semaphore_mem>>)
      %dma_wait3A = arith.constant 0 : i32
      %dma_wait3A_72 = arith.constant 0 : i32
      %dma_wait3A_73 = tpu.memref_slice %arg4[%add3A, %dma_wait3A, %dma_wait3A_72] : memref<32x128x80xi32, #tpu.memory_space<hbm>> -> memref<1x128x80xi32, #tpu.memory_space<hbm>>
      %dma_wait3A_74 = tpu.memref_squeeze %dma_wait3A_73 : memref<1x128x80xi32, #tpu.memory_space<hbm>> -> memref<128x80xi32, #tpu.memory_space<hbm>>
      %dma_wait3A_75 = arith.constant 64 : i32
      %dma_wait3A_76 = arith.constant 0 : i32
      %dma_wait3A_77 = tpu.memref_slice %dma_wait3A_74[%dma_wait3A_75, %dma_wait3A_76] : memref<128x80xi32, #tpu.memory_space<hbm>> -> memref<32x80xi32, #tpu.memory_space<hbm>>
      %dma_wait3A_78 = arith.constant 0 : i32
      %dma_wait3A_79 = arith.constant 0 : i32
      %dma_wait3A_80 = tpu.memref_slice %arg4[%add3A, %dma_wait3A_78, %dma_wait3A_79] : memref<32x128x80xi32, #tpu.memory_space<hbm>> -> memref<1x128x80xi32, #tpu.memory_space<hbm>>
      %dma_wait3A_81 = tpu.memref_squeeze %dma_wait3A_80 : memref<1x128x80xi32, #tpu.memory_space<hbm>> -> memref<128x80xi32, #tpu.memory_space<hbm>>
      %dma_wait3A_82 = arith.constant 64 : i32
      %dma_wait3A_83 = arith.constant 0 : i32
      %dma_wait3A_84 = tpu.memref_slice %dma_wait3A_81[%dma_wait3A_82, %dma_wait3A_83] : memref<128x80xi32, #tpu.memory_space<hbm>> -> memref<32x80xi32, #tpu.memory_space<hbm>>
      tpu.wait_dma2 semaphore(%run_scoped3A : memref<!tpu.dma_semaphore, #tpu.memory_space<semaphore_mem>>) src(%dma_wait3A_84 : memref<32x80xi32, #tpu.memory_space<hbm>>) dst(%arg11 : memref<32x80xi32, #tpu.memory_space<vmem>>)
      tpu.yield
    }) : () -> ()
    %dma_start3A_28 = arith.constant 0 : i32
    %dma_start3A_29 = arith.constant 0 : i32
    %dma_start3A_30 = tpu.memref_slice %arg10[%dma_start3A_28, %dma_start3A_29] : memref<32x80xi32, #tpu.memory_space<vmem>> -> memref<1x80xi32, #tpu.memory_space<vmem>>
    %dma_start3A_31 = tpu.memref_squeeze %dma_start3A_30 : memref<1x80xi32, #tpu.memory_space<vmem>> -> memref<80xi32, #tpu.memory_space<vmem>>
    %dma_start3A_32 = arith.constant 0 : i32
    %dma_start3A_33 = arith.constant 0 : i32
    %dma_start3A_34 = tpu.memref_slice %arg2[%dma_start3A_32, %dma_start3A_33] : memref<10000x128xf32, #tpu.memory_space<hbm>> -> memref<10000x128xf32, #tpu.memory_space<hbm>>
    tpu.enqueue_indirect_dma source(%dma_start3A_34 : memref<10000x128xf32, #tpu.memory_space<hbm>>) target(%arg12 : memref<80x128xf32, #tpu.memory_space<vmem>>) offsets(%dma_start3A_31 : memref<80xi32, #tpu.memory_space<vmem>>) semaphore(%arg15 : memref<!tpu.dma_semaphore, #tpu.memory_space<semaphore_mem>>)
    %scan3A_35 = arith.constant 0 : i32
    %scan3A_36 = arith.constant 16 : i32
    %scan3A_37 = arith.addi %scan3A_35, %scan3A_36 : i32
    %scan3A_38 = arith.constant 1 : i32
    scf.for %scan3A_58 = %scan3A_35 to %scan3A_37 step %scan3A_38  : i32 {
      %mul3A_59 = arith.constant 2 : i32
      %mul3A_60 = arith.muli %scan3A_58, %mul3A_59 : i32
      %add3A_61 = arith.constant 0 : i32
      %add3A_62 = arith.addi %add3A_61, %mul3A_60 : i32
      %add3A_63 = arith.constant 1 : i32
      %add3A_64 = arith.addi %add3A_62, %add3A_63 : i32
      %dma_start3A_65 = arith.constant 0 : i32
      %dma_start3A_66 = tpu.memref_slice %arg10[%add3A_64, %dma_start3A_65] : memref<32x80xi32, #tpu.memory_space<vmem>> -> memref<1x80xi32, #tpu.memory_space<vmem>>
      %dma_start3A_67 = tpu.memref_squeeze %dma_start3A_66 : memref<1x80xi32, #tpu.memory_space<vmem>> -> memref<80xi32, #tpu.memory_space<vmem>>
      %dma_start3A_68 = arith.constant 0 : i32
      %dma_start3A_69 = arith.constant 0 : i32
      %dma_start3A_70 = tpu.memref_slice %arg2[%dma_start3A_68, %dma_start3A_69] : memref<10000x128xf32, #tpu.memory_space<hbm>> -> memref<10000x128xf32, #tpu.memory_space<hbm>>
      tpu.enqueue_indirect_dma source(%dma_start3A_70 : memref<10000x128xf32, #tpu.memory_space<hbm>>) target(%arg13 : memref<80x128xf32, #tpu.memory_space<vmem>>) offsets(%dma_start3A_67 : memref<80xi32, #tpu.memory_space<vmem>>) semaphore(%arg16 : memref<!tpu.dma_semaphore, #tpu.memory_space<semaphore_mem>>)
      %lt3A = arith.constant 32 : i32
      %lt3A_71 = arith.cmpi slt, %add3A_62, %lt3A : i32
      %convert_element_type3A_72 = arith.extui %lt3A_71 : i1 to i32
      %cond3A_73 = arith.constant 0 : i32
      %cond3A_74 = arith.cmpi ne, %convert_element_type3A_72, %cond3A_73 : i32
      scf.if %cond3A_74 {
        %get3A = arith.index_cast %add3A_62 : i32 to index
        %get3A_114 = arith.constant 0 : index
        %get3A_115 = tpu.vector_load %arg11[%get3A, %get3A_114] {strides = array<i32>} : memref<32x80xi32, #tpu.memory_space<vmem>>, vector<16xi32>,
        tpu.vector_store_idx %arg14[%get3A_115], %broadcast_in_dim3A_3 {add = true} : memref<10000xf32, #tpu.memory_space<vmem>>[vector<16xi32>], vector<16xf32>,
        %get3A_116 = arith.index_cast %add3A_62 : i32 to index
        %get3A_117 = arith.constant 16 : index
        %get3A_118 = tpu.vector_load %arg11[%get3A_116, %get3A_117] {strides = array<i32>} : memref<32x80xi32, #tpu.memory_space<vmem>>, vector<16xi32>,
        tpu.vector_store_idx %arg14[%get3A_118], %broadcast_in_dim3A_3 {add = true} : memref<10000xf32, #tpu.memory_space<vmem>>[vector<16xi32>], vector<16xf32>,
        %get3A_119 = arith.index_cast %add3A_62 : i32 to index
        %get3A_120 = arith.constant 32 : index
        %get3A_121 = tpu.vector_load %arg11[%get3A_119, %get3A_120] {strides = array<i32>} : memref<32x80xi32, #tpu.memory_space<vmem>>, vector<16xi32>,
        tpu.vector_store_idx %arg14[%get3A_121], %broadcast_in_dim3A_3 {add = true} : memref<10000xf32, #tpu.memory_space<vmem>>[vector<16xi32>], vector<16xf32>,
        %get3A_122 = arith.index_cast %add3A_62 : i32 to index
        %get3A_123 = arith.constant 48 : index
        %get3A_124 = tpu.vector_load %arg11[%get3A_122, %get3A_123] {strides = array<i32>} : memref<32x80xi32, #tpu.memory_space<vmem>>, vector<16xi32>,
        tpu.vector_store_idx %arg14[%get3A_124], %broadcast_in_dim3A_3 {add = true} : memref<10000xf32, #tpu.memory_space<vmem>>[vector<16xi32>], vector<16xf32>,
        %get3A_125 = arith.index_cast %add3A_62 : i32 to index
        %get3A_126 = arith.constant 64 : index
        %get3A_127 = tpu.vector_load %arg11[%get3A_125, %get3A_126] {strides = array<i32>} : memref<32x80xi32, #tpu.memory_space<vmem>>, vector<16xi32>,
        tpu.vector_store_idx %arg14[%get3A_127], %broadcast_in_dim3A_3 {add = true} : memref<10000xf32, #tpu.memory_space<vmem>>[vector<16xi32>], vector<16xf32>,
      } else {
      }
      %dma_wait3A = arith.constant 0 : i32
      %dma_wait3A_75 = tpu.memref_slice %arg10[%add3A_62, %dma_wait3A] : memref<32x80xi32, #tpu.memory_space<vmem>> -> memref<1x80xi32, #tpu.memory_space<vmem>>
      %dma_wait3A_76 = tpu.memref_squeeze %dma_wait3A_75 : memref<1x80xi32, #tpu.memory_space<vmem>> -> memref<80xi32, #tpu.memory_space<vmem>>
      %dma_wait3A_77 = arith.constant 0 : i32
      %dma_wait3A_78 = arith.constant 0 : i32
      %dma_wait3A_79 = tpu.memref_slice %arg2[%dma_wait3A_77, %dma_wait3A_78] : memref<10000x128xf32, #tpu.memory_space<hbm>> -> memref<10000x128xf32, #tpu.memory_space<hbm>>
      tpu.wait_indirect_dma semaphore(%arg15 : memref<!tpu.dma_semaphore, #tpu.memory_space<semaphore_mem>>) src(%dma_wait3A_79 : memref<10000x128xf32, #tpu.memory_space<hbm>>) dst(%arg12 : memref<80x128xf32, #tpu.memory_space<vmem>>)
      %lt3A_80 = arith.constant 32 : i32
      %lt3A_81 = arith.cmpi slt, %add3A_62, %lt3A_80 : i32
      %convert_element_type3A_82 = arith.extui %lt3A_81 : i1 to i32
      %cond3A_83 = arith.constant 0 : i32
      %cond3A_84 = arith.cmpi ne, %convert_element_type3A_82, %cond3A_83 : i32
      scf.if %cond3A_84 {
        "tpu.region"() ({
          %run_scoped3A = tpu.sem_alloc : memref<!tpu.dma_semaphore, #tpu.memory_space<semaphore_mem>>
          %dma_start3A_114 = arith.constant 0 : i32
          %dma_start3A_115 = tpu.memref_slice %arg11[%add3A_62, %dma_start3A_114] : memref<32x80xi32, #tpu.memory_space<vmem>> -> memref<1x80xi32, #tpu.memory_space<vmem>>
          %dma_start3A_116 = tpu.memref_squeeze %dma_start3A_115 : memref<1x80xi32, #tpu.memory_space<vmem>> -> memref<80xi32, #tpu.memory_space<vmem>>
          %dma_start3A_117 = arith.constant 0 : i32
          %dma_start3A_118 = arith.constant 0 : i32
          %dma_start3A_119 = tpu.memref_slice %arg9[%dma_start3A_117, %dma_start3A_118] : memref<10000x128xf32, #tpu.memory_space<vmem_shared>> -> memref<10000x128xf32, #tpu.memory_space<vmem_shared>>
          tpu.enqueue_indirect_dma source(%arg12 : memref<80x128xf32, #tpu.memory_space<vmem>>) target(%dma_start3A_119 : memref<10000x128xf32, #tpu.memory_space<vmem_shared>>) offsets(%dma_start3A_116 : memref<80xi32, #tpu.memory_space<vmem>>) semaphore(%run_scoped3A : memref<!tpu.dma_semaphore, #tpu.memory_space<semaphore_mem>>) {add = true}
          %dma_wait3A_120 = arith.constant 0 : i32
          %dma_wait3A_121 = tpu.memref_slice %arg11[%add3A_62, %dma_wait3A_120] : memref<32x80xi32, #tpu.memory_space<vmem>> -> memref<1x80xi32, #tpu.memory_space<vmem>>
          %dma_wait3A_122 = tpu.memref_squeeze %dma_wait3A_121 : memref<1x80xi32, #tpu.memory_space<vmem>> -> memref<80xi32, #tpu.memory_space<vmem>>
          %dma_wait3A_123 = arith.constant 0 : i32
          %dma_wait3A_124 = arith.constant 0 : i32
          %dma_wait3A_125 = tpu.memref_slice %arg9[%dma_wait3A_123, %dma_wait3A_124] : memref<10000x128xf32, #tpu.memory_space<vmem_shared>> -> memref<10000x128xf32, #tpu.memory_space<vmem_shared>>
          tpu.wait_indirect_dma semaphore(%run_scoped3A : memref<!tpu.dma_semaphore, #tpu.memory_space<semaphore_mem>>) src(%arg12 : memref<80x128xf32, #tpu.memory_space<vmem>>) dst(%dma_wait3A_125 : memref<10000x128xf32, #tpu.memory_space<vmem_shared>>)
          tpu.yield
        }) : () -> ()
      } else {
      }
      %add3A_85 = arith.constant 2 : i32
      %add3A_86 = arith.addi %add3A_62, %add3A_85 : i32
      %lt3A_87 = arith.constant 32 : i32
      %lt3A_88 = arith.cmpi slt, %add3A_86, %lt3A_87 : i32
      %convert_element_type3A_89 = arith.extui %lt3A_88 : i1 to i32
      %cond3A_90 = arith.constant 0 : i32
      %cond3A_91 = arith.cmpi ne, %convert_element_type3A_89, %cond3A_90 : i32
      scf.if %cond3A_91 {
        %add3A_114 = arith.constant 2 : i32
        %add3A_115 = arith.addi %add3A_62, %add3A_114 : i32
        %dma_start3A_116 = arith.constant 0 : i32
        %dma_start3A_117 = tpu.memref_slice %arg10[%add3A_115, %dma_start3A_116] : memref<32x80xi32, #tpu.memory_space<vmem>> -> memref<1x80xi32, #tpu.memory_space<vmem>>
        %dma_start3A_118 = tpu.memref_squeeze %dma_start3A_117 : memref<1x80xi32, #tpu.memory_space<vmem>> -> memref<80xi32, #tpu.memory_space<vmem>>
        %dma_start3A_119 = arith.constant 0 : i32
        %dma_start3A_120 = arith.constant 0 : i32
        %dma_start3A_121 = tpu.memref_slice %arg2[%dma_start3A_119, %dma_start3A_120] : memref<10000x128xf32, #tpu.memory_space<hbm>> -> memref<10000x128xf32, #tpu.memory_space<hbm>>
        tpu.enqueue_indirect_dma source(%dma_start3A_121 : memref<10000x128xf32, #tpu.memory_space<hbm>>) target(%arg12 : memref<80x128xf32, #tpu.memory_space<vmem>>) offsets(%dma_start3A_118 : memref<80xi32, #tpu.memory_space<vmem>>) semaphore(%arg15 : memref<!tpu.dma_semaphore, #tpu.memory_space<semaphore_mem>>)
      } else {
      }
      %add3A_92 = arith.constant 1 : i32
      %add3A_93 = arith.addi %add3A_62, %add3A_92 : i32
      %lt3A_94 = arith.constant 32 : i32
      %lt3A_95 = arith.cmpi slt, %add3A_93, %lt3A_94 : i32
      %convert_element_type3A_96 = arith.extui %lt3A_95 : i1 to i32
      %cond3A_97 = arith.constant 0 : i32
      %cond3A_98 = arith.cmpi ne, %convert_element_type3A_96, %cond3A_97 : i32
      scf.if %cond3A_98 {
        %add3A_114 = arith.constant 1 : i32
        %add3A_115 = arith.addi %add3A_62, %add3A_114 : i32
        %get3A = arith.index_cast %add3A_115 : i32 to index
        %get3A_116 = arith.constant 0 : index
        %get3A_117 = tpu.vector_load %arg11[%get3A, %get3A_116] {strides = array<i32>} : memref<32x80xi32, #tpu.memory_space<vmem>>, vector<16xi32>,
        tpu.vector_store_idx %arg14[%get3A_117], %broadcast_in_dim3A_3 {add = true} : memref<10000xf32, #tpu.memory_space<vmem>>[vector<16xi32>], vector<16xf32>,
        %get3A_118 = arith.index_cast %add3A_115 : i32 to index
        %get3A_119 = arith.constant 16 : index
        %get3A_120 = tpu.vector_load %arg11[%get3A_118, %get3A_119] {strides = array<i32>} : memref<32x80xi32, #tpu.memory_space<vmem>>, vector<16xi32>,
        tpu.vector_store_idx %arg14[%get3A_120], %broadcast_in_dim3A_3 {add = true} : memref<10000xf32, #tpu.memory_space<vmem>>[vector<16xi32>], vector<16xf32>,
        %get3A_121 = arith.index_cast %add3A_115 : i32 to index
        %get3A_122 = arith.constant 32 : index
        %get3A_123 = tpu.vector_load %arg11[%get3A_121, %get3A_122] {strides = array<i32>} : memref<32x80xi32, #tpu.memory_space<vmem>>, vector<16xi32>,
        tpu.vector_store_idx %arg14[%get3A_123], %broadcast_in_dim3A_3 {add = true} : memref<10000xf32, #tpu.memory_space<vmem>>[vector<16xi32>], vector<16xf32>,
        %get3A_124 = arith.index_cast %add3A_115 : i32 to index
        %get3A_125 = arith.constant 48 : index
        %get3A_126 = tpu.vector_load %arg11[%get3A_124, %get3A_125] {strides = array<i32>} : memref<32x80xi32, #tpu.memory_space<vmem>>, vector<16xi32>,
        tpu.vector_store_idx %arg14[%get3A_126], %broadcast_in_dim3A_3 {add = true} : memref<10000xf32, #tpu.memory_space<vmem>>[vector<16xi32>], vector<16xf32>,
        %get3A_127 = arith.index_cast %add3A_115 : i32 to index
        %get3A_128 = arith.constant 64 : index
        %get3A_129 = tpu.vector_load %arg11[%get3A_127, %get3A_128] {strides = array<i32>} : memref<32x80xi32, #tpu.memory_space<vmem>>, vector<16xi32>,
        tpu.vector_store_idx %arg14[%get3A_129], %broadcast_in_dim3A_3 {add = true} : memref<10000xf32, #tpu.memory_space<vmem>>[vector<16xi32>], vector<16xf32>,
      } else {
      }
      %add3A_99 = arith.constant 1 : i32
      %add3A_100 = arith.addi %add3A_62, %add3A_99 : i32
      %dma_wait3A_101 = arith.constant 0 : i32
      %dma_wait3A_102 = tpu.memref_slice %arg10[%add3A_100, %dma_wait3A_101] : memref<32x80xi32, #tpu.memory_space<vmem>> -> memref<1x80xi32, #tpu.memory_space<vmem>>
      %dma_wait3A_103 = tpu.memref_squeeze %dma_wait3A_102 : memref<1x80xi32, #tpu.memory_space<vmem>> -> memref<80xi32, #tpu.memory_space<vmem>>
      %dma_wait3A_104 = arith.constant 0 : i32
      %dma_wait3A_105 = arith.constant 0 : i32
      %dma_wait3A_106 = tpu.memref_slice %arg2[%dma_wait3A_104, %dma_wait3A_105] : memref<10000x128xf32, #tpu.memory_space<hbm>> -> memref<10000x128xf32, #tpu.memory_space<hbm>>
      tpu.wait_indirect_dma semaphore(%arg16 : memref<!tpu.dma_semaphore, #tpu.memory_space<semaphore_mem>>) src(%dma_wait3A_106 : memref<10000x128xf32, #tpu.memory_space<hbm>>) dst(%arg13 : memref<80x128xf32, #tpu.memory_space<vmem>>)
      %add3A_107 = arith.constant 1 : i32
      %add3A_108 = arith.addi %add3A_62, %add3A_107 : i32
      %lt3A_109 = arith.constant 32 : i32
      %lt3A_110 = arith.cmpi slt, %add3A_108, %lt3A_109 : i32
      %convert_element_type3A_111 = arith.extui %lt3A_110 : i1 to i32
      %cond3A_112 = arith.constant 0 : i32
      %cond3A_113 = arith.cmpi ne, %convert_element_type3A_111, %cond3A_112 : i32
      scf.if %cond3A_113 {
        %add3A_114 = arith.constant 1 : i32
        %add3A_115 = arith.addi %add3A_62, %add3A_114 : i32
        "tpu.region"() ({
          %run_scoped3A = tpu.sem_alloc : memref<!tpu.dma_semaphore, #tpu.memory_space<semaphore_mem>>
          %dma_start3A_116 = arith.constant 0 : i32
          %dma_start3A_117 = tpu.memref_slice %arg11[%add3A_115, %dma_start3A_116] : memref<32x80xi32, #tpu.memory_space<vmem>> -> memref<1x80xi32, #tpu.memory_space<vmem>>
          %dma_start3A_118 = tpu.memref_squeeze %dma_start3A_117 : memref<1x80xi32, #tpu.memory_space<vmem>> -> memref<80xi32, #tpu.memory_space<vmem>>
          %dma_start3A_119 = arith.constant 0 : i32
          %dma_start3A_120 = arith.constant 0 : i32
          %dma_start3A_121 = tpu.memref_slice %arg9[%dma_start3A_119, %dma_start3A_120] : memref<10000x128xf32, #tpu.memory_space<vmem_shared>> -> memref<10000x128xf32, #tpu.memory_space<vmem_shared>>
          tpu.enqueue_indirect_dma source(%arg13 : memref<80x128xf32, #tpu.memory_space<vmem>>) target(%dma_start3A_121 : memref<10000x128xf32, #tpu.memory_space<vmem_shared>>) offsets(%dma_start3A_118 : memref<80xi32, #tpu.memory_space<vmem>>) semaphore(%run_scoped3A : memref<!tpu.dma_semaphore, #tpu.memory_space<semaphore_mem>>) {add = true}
          %dma_wait3A_122 = arith.constant 0 : i32
          %dma_wait3A_123 = tpu.memref_slice %arg11[%add3A_115, %dma_wait3A_122] : memref<32x80xi32, #tpu.memory_space<vmem>> -> memref<1x80xi32, #tpu.memory_space<vmem>>
          %dma_wait3A_124 = tpu.memref_squeeze %dma_wait3A_123 : memref<1x80xi32, #tpu.memory_space<vmem>> -> memref<80xi32, #tpu.memory_space<vmem>>
          %dma_wait3A_125 = arith.constant 0 : i32
          %dma_wait3A_126 = arith.constant 0 : i32
          %dma_wait3A_127 = tpu.memref_slice %arg9[%dma_wait3A_125, %dma_wait3A_126] : memref<10000x128xf32, #tpu.memory_space<vmem_shared>> -> memref<10000x128xf32, #tpu.memory_space<vmem_shared>>
          tpu.wait_indirect_dma semaphore(%run_scoped3A : memref<!tpu.dma_semaphore, #tpu.memory_space<semaphore_mem>>) src(%arg13 : memref<80x128xf32, #tpu.memory_space<vmem>>) dst(%dma_wait3A_127 : memref<10000x128xf32, #tpu.memory_space<vmem_shared>>)
          tpu.yield
        }) : () -> ()
      } else {
      }
    }
    %scan3A_39 = arith.constant 16 : i32
    "tpu.region"() ({
      %run_scoped3A = tpu.sem_alloc : memref<!tpu.dma_semaphore, #tpu.memory_space<semaphore_mem>>
      %dma_start3A_58 = arith.constant 0 : i32
      %dma_start3A_59 = arith.constant 0 : i32
      %dma_start3A_60 = tpu.memref_slice %arg3[%add3A, %dma_start3A_58, %dma_start3A_59] : memref<32x128x80xi32, #tpu.memory_space<hbm>> -> memref<1x128x80xi32, #tpu.memory_space<hbm>>
      %dma_start3A_61 = tpu.memref_squeeze %dma_start3A_60 : memref<1x128x80xi32, #tpu.memory_space<hbm>> -> memref<128x80xi32, #tpu.memory_space<hbm>>
      %dma_start3A_62 = arith.constant 96 : i32
      %dma_start3A_63 = arith.constant 0 : i32
      %dma_start3A_64 = tpu.memref_slice %dma_start3A_61[%dma_start3A_62, %dma_start3A_63] : memref<128x80xi32, #tpu.memory_space<hbm>> -> memref<32x80xi32, #tpu.memory_space<hbm>>
      %dma_start3A_65 = arith.constant 0 : i32
      %dma_start3A_66 = arith.constant 0 : i32
      %dma_start3A_67 = tpu.memref_slice %arg3[%add3A, %dma_start3A_65, %dma_start3A_66] : memref<32x128x80xi32, #tpu.memory_space<hbm>> -> memref<1x128x80xi32, #tpu.memory_space<hbm>>
      %dma_start3A_68 = tpu.memref_squeeze %dma_start3A_67 : memref<1x128x80xi32, #tpu.memory_space<hbm>> -> memref<128x80xi32, #tpu.memory_space<hbm>>
      %dma_start3A_69 = arith.constant 96 : i32
      %dma_start3A_70 = arith.constant 0 : i32
      %dma_start3A_71 = tpu.memref_slice %dma_start3A_68[%dma_start3A_69, %dma_start3A_70] : memref<128x80xi32, #tpu.memory_space<hbm>> -> memref<32x80xi32, #tpu.memory_space<hbm>>
      tpu.enqueue_dma source(%dma_start3A_71 : memref<32x80xi32, #tpu.memory_space<hbm>>) target(%arg10 : memref<32x80xi32, #tpu.memory_space<vmem>>) target_semaphore(%run_scoped3A : memref<!tpu.dma_semaphore, #tpu.memory_space<semaphore_mem>>)
      %dma_wait3A = arith.constant 0 : i32
      %dma_wait3A_72 = arith.constant 0 : i32
      %dma_wait3A_73 = tpu.memref_slice %arg3[%add3A, %dma_wait3A, %dma_wait3A_72] : memref<32x128x80xi32, #tpu.memory_space<hbm>> -> memref<1x128x80xi32, #tpu.memory_space<hbm>>
      %dma_wait3A_74 = tpu.memref_squeeze %dma_wait3A_73 : memref<1x128x80xi32, #tpu.memory_space<hbm>> -> memref<128x80xi32, #tpu.memory_space<hbm>>
      %dma_wait3A_75 = arith.constant 96 : i32
      %dma_wait3A_76 = arith.constant 0 : i32
      %dma_wait3A_77 = tpu.memref_slice %dma_wait3A_74[%dma_wait3A_75, %dma_wait3A_76] : memref<128x80xi32, #tpu.memory_space<hbm>> -> memref<32x80xi32, #tpu.memory_space<hbm>>
      %dma_wait3A_78 = arith.constant 0 : i32
      %dma_wait3A_79 = arith.constant 0 : i32
      %dma_wait3A_80 = tpu.memref_slice %arg3[%add3A, %dma_wait3A_78, %dma_wait3A_79] : memref<32x128x80xi32, #tpu.memory_space<hbm>> -> memref<1x128x80xi32, #tpu.memory_space<hbm>>
      %dma_wait3A_81 = tpu.memref_squeeze %dma_wait3A_80 : memref<1x128x80xi32, #tpu.memory_space<hbm>> -> memref<128x80xi32, #tpu.memory_space<hbm>>
      %dma_wait3A_82 = arith.constant 96 : i32
      %dma_wait3A_83 = arith.constant 0 : i32
      %dma_wait3A_84 = tpu.memref_slice %dma_wait3A_81[%dma_wait3A_82, %dma_wait3A_83] : memref<128x80xi32, #tpu.memory_space<hbm>> -> memref<32x80xi32, #tpu.memory_space<hbm>>
      tpu.wait_dma2 semaphore(%run_scoped3A : memref<!tpu.dma_semaphore, #tpu.memory_space<semaphore_mem>>) src(%dma_wait3A_84 : memref<32x80xi32, #tpu.memory_space<hbm>>) dst(%arg10 : memref<32x80xi32, #tpu.memory_space<vmem>>)
      tpu.yield
    }) : () -> ()
    "tpu.region"() ({
      %run_scoped3A = tpu.sem_alloc : memref<!tpu.dma_semaphore, #tpu.memory_space<semaphore_mem>>
      %dma_start3A_58 = arith.constant 0 : i32
      %dma_start3A_59 = arith.constant 0 : i32
      %dma_start3A_60 = tpu.memref_slice %arg4[%add3A, %dma_start3A_58, %dma_start3A_59] : memref<32x128x80xi32, #tpu.memory_space<hbm>> -> memref<1x128x80xi32, #tpu.memory_space<hbm>>
      %dma_start3A_61 = tpu.memref_squeeze %dma_start3A_60 : memref<1x128x80xi32, #tpu.memory_space<hbm>> -> memref<128x80xi32, #tpu.memory_space<hbm>>
      %dma_start3A_62 = arith.constant 96 : i32
      %dma_start3A_63 = arith.constant 0 : i32
      %dma_start3A_64 = tpu.memref_slice %dma_start3A_61[%dma_start3A_62, %dma_start3A_63] : memref<128x80xi32, #tpu.memory_space<hbm>> -> memref<32x80xi32, #tpu.memory_space<hbm>>
      %dma_start3A_65 = arith.constant 0 : i32
      %dma_start3A_66 = arith.constant 0 : i32
      %dma_start3A_67 = tpu.memref_slice %arg4[%add3A, %dma_start3A_65, %dma_start3A_66] : memref<32x128x80xi32, #tpu.memory_space<hbm>> -> memref<1x128x80xi32, #tpu.memory_space<hbm>>
      %dma_start3A_68 = tpu.memref_squeeze %dma_start3A_67 : memref<1x128x80xi32, #tpu.memory_space<hbm>> -> memref<128x80xi32, #tpu.memory_space<hbm>>
      %dma_start3A_69 = arith.constant 96 : i32
      %dma_start3A_70 = arith.constant 0 : i32
      %dma_start3A_71 = tpu.memref_slice %dma_start3A_68[%dma_start3A_69, %dma_start3A_70] : memref<128x80xi32, #tpu.memory_space<hbm>> -> memref<32x80xi32, #tpu.memory_space<hbm>>
      tpu.enqueue_dma source(%dma_start3A_71 : memref<32x80xi32, #tpu.memory_space<hbm>>) target(%arg11 : memref<32x80xi32, #tpu.memory_space<vmem>>) target_semaphore(%run_scoped3A : memref<!tpu.dma_semaphore, #tpu.memory_space<semaphore_mem>>)
      %dma_wait3A = arith.constant 0 : i32
      %dma_wait3A_72 = arith.constant 0 : i32
      %dma_wait3A_73 = tpu.memref_slice %arg4[%add3A, %dma_wait3A, %dma_wait3A_72] : memref<32x128x80xi32, #tpu.memory_space<hbm>> -> memref<1x128x80xi32, #tpu.memory_space<hbm>>
      %dma_wait3A_74 = tpu.memref_squeeze %dma_wait3A_73 : memref<1x128x80xi32, #tpu.memory_space<hbm>> -> memref<128x80xi32, #tpu.memory_space<hbm>>
      %dma_wait3A_75 = arith.constant 96 : i32
      %dma_wait3A_76 = arith.constant 0 : i32
      %dma_wait3A_77 = tpu.memref_slice %dma_wait3A_74[%dma_wait3A_75, %dma_wait3A_76] : memref<128x80xi32, #tpu.memory_space<hbm>> -> memref<32x80xi32, #tpu.memory_space<hbm>>
      %dma_wait3A_78 = arith.constant 0 : i32
      %dma_wait3A_79 = arith.constant 0 : i32
      %dma_wait3A_80 = tpu.memref_slice %arg4[%add3A, %dma_wait3A_78, %dma_wait3A_79] : memref<32x128x80xi32, #tpu.memory_space<hbm>> -> memref<1x128x80xi32, #tpu.memory_space<hbm>>
      %dma_wait3A_81 = tpu.memref_squeeze %dma_wait3A_80 : memref<1x128x80xi32, #tpu.memory_space<hbm>> -> memref<128x80xi32, #tpu.memory_space<hbm>>
      %dma_wait3A_82 = arith.constant 96 : i32
      %dma_wait3A_83 = arith.constant 0 : i32
      %dma_wait3A_84 = tpu.memref_slice %dma_wait3A_81[%dma_wait3A_82, %dma_wait3A_83] : memref<128x80xi32, #tpu.memory_space<hbm>> -> memref<32x80xi32, #tpu.memory_space<hbm>>
      tpu.wait_dma2 semaphore(%run_scoped3A : memref<!tpu.dma_semaphore, #tpu.memory_space<semaphore_mem>>) src(%dma_wait3A_84 : memref<32x80xi32, #tpu.memory_space<hbm>>) dst(%arg11 : memref<32x80xi32, #tpu.memory_space<vmem>>)
      tpu.yield
    }) : () -> ()
    %dma_start3A_40 = arith.constant 0 : i32
    %dma_start3A_41 = arith.constant 0 : i32
    %dma_start3A_42 = tpu.memref_slice %arg10[%dma_start3A_40, %dma_start3A_41] : memref<32x80xi32, #tpu.memory_space<vmem>> -> memref<1x80xi32, #tpu.memory_space<vmem>>
    %dma_start3A_43 = tpu.memref_squeeze %dma_start3A_42 : memref<1x80xi32, #tpu.memory_space<vmem>> -> memref<80xi32, #tpu.memory_space<vmem>>
    %dma_start3A_44 = arith.constant 0 : i32
    %dma_start3A_45 = arith.constant 0 : i32
    %dma_start3A_46 = tpu.memref_slice %arg2[%dma_start3A_44, %dma_start3A_45] : memref<10000x128xf32, #tpu.memory_space<hbm>> -> memref<10000x128xf32, #tpu.memory_space<hbm>>
    tpu.enqueue_indirect_dma source(%dma_start3A_46 : memref<10000x128xf32, #tpu.memory_space<hbm>>) target(%arg12 : memref<80x128xf32, #tpu.memory_space<vmem>>) offsets(%dma_start3A_43 : memref<80xi32, #tpu.memory_space<vmem>>) semaphore(%arg15 : memref<!tpu.dma_semaphore, #tpu.memory_space<semaphore_mem>>)
    %scan3A_47 = arith.constant 0 : i32
    %scan3A_48 = arith.constant 16 : i32
    %scan3A_49 = arith.addi %scan3A_47, %scan3A_48 : i32
    %scan3A_50 = arith.constant 1 : i32
    scf.for %scan3A_58 = %scan3A_47 to %scan3A_49 step %scan3A_50  : i32 {
      %mul3A_59 = arith.constant 2 : i32
      %mul3A_60 = arith.muli %scan3A_58, %mul3A_59 : i32
      %add3A_61 = arith.constant 0 : i32
      %add3A_62 = arith.addi %add3A_61, %mul3A_60 : i32
      %add3A_63 = arith.constant 1 : i32
      %add3A_64 = arith.addi %add3A_62, %add3A_63 : i32
      %dma_start3A_65 = arith.constant 0 : i32
      %dma_start3A_66 = tpu.memref_slice %arg10[%add3A_64, %dma_start3A_65] : memref<32x80xi32, #tpu.memory_space<vmem>> -> memref<1x80xi32, #tpu.memory_space<vmem>>
      %dma_start3A_67 = tpu.memref_squeeze %dma_start3A_66 : memref<1x80xi32, #tpu.memory_space<vmem>> -> memref<80xi32, #tpu.memory_space<vmem>>
      %dma_start3A_68 = arith.constant 0 : i32
      %dma_start3A_69 = arith.constant 0 : i32
      %dma_start3A_70 = tpu.memref_slice %arg2[%dma_start3A_68, %dma_start3A_69] : memref<10000x128xf32, #tpu.memory_space<hbm>> -> memref<10000x128xf32, #tpu.memory_space<hbm>>
      tpu.enqueue_indirect_dma source(%dma_start3A_70 : memref<10000x128xf32, #tpu.memory_space<hbm>>) target(%arg13 : memref<80x128xf32, #tpu.memory_space<vmem>>) offsets(%dma_start3A_67 : memref<80xi32, #tpu.memory_space<vmem>>) semaphore(%arg16 : memref<!tpu.dma_semaphore, #tpu.memory_space<semaphore_mem>>)
      %lt3A = arith.constant 29 : i32
      %lt3A_71 = arith.cmpi slt, %add3A_62, %lt3A : i32
      %convert_element_type3A_72 = arith.extui %lt3A_71 : i1 to i32
      %cond3A_73 = arith.constant 0 : i32
      %cond3A_74 = arith.cmpi ne, %convert_element_type3A_72, %cond3A_73 : i32
      scf.if %cond3A_74 {
        %get3A = arith.index_cast %add3A_62 : i32 to index
        %get3A_114 = arith.constant 0 : index
        %get3A_115 = tpu.vector_load %arg11[%get3A, %get3A_114] {strides = array<i32>} : memref<32x80xi32, #tpu.memory_space<vmem>>, vector<16xi32>,
        tpu.vector_store_idx %arg14[%get3A_115], %broadcast_in_dim3A_3 {add = true} : memref<10000xf32, #tpu.memory_space<vmem>>[vector<16xi32>], vector<16xf32>,
        %get3A_116 = arith.index_cast %add3A_62 : i32 to index
        %get3A_117 = arith.constant 16 : index
        %get3A_118 = tpu.vector_load %arg11[%get3A_116, %get3A_117] {strides = array<i32>} : memref<32x80xi32, #tpu.memory_space<vmem>>, vector<16xi32>,
        tpu.vector_store_idx %arg14[%get3A_118], %broadcast_in_dim3A_3 {add = true} : memref<10000xf32, #tpu.memory_space<vmem>>[vector<16xi32>], vector<16xf32>,
        %get3A_119 = arith.index_cast %add3A_62 : i32 to index
        %get3A_120 = arith.constant 32 : index
        %get3A_121 = tpu.vector_load %arg11[%get3A_119, %get3A_120] {strides = array<i32>} : memref<32x80xi32, #tpu.memory_space<vmem>>, vector<16xi32>,
        tpu.vector_store_idx %arg14[%get3A_121], %broadcast_in_dim3A_3 {add = true} : memref<10000xf32, #tpu.memory_space<vmem>>[vector<16xi32>], vector<16xf32>,
        %get3A_122 = arith.index_cast %add3A_62 : i32 to index
        %get3A_123 = arith.constant 48 : index
        %get3A_124 = tpu.vector_load %arg11[%get3A_122, %get3A_123] {strides = array<i32>} : memref<32x80xi32, #tpu.memory_space<vmem>>, vector<16xi32>,
        tpu.vector_store_idx %arg14[%get3A_124], %broadcast_in_dim3A_3 {add = true} : memref<10000xf32, #tpu.memory_space<vmem>>[vector<16xi32>], vector<16xf32>,
        %get3A_125 = arith.index_cast %add3A_62 : i32 to index
        %get3A_126 = arith.constant 64 : index
        %get3A_127 = tpu.vector_load %arg11[%get3A_125, %get3A_126] {strides = array<i32>} : memref<32x80xi32, #tpu.memory_space<vmem>>, vector<16xi32>,
        tpu.vector_store_idx %arg14[%get3A_127], %broadcast_in_dim3A_3 {add = true} : memref<10000xf32, #tpu.memory_space<vmem>>[vector<16xi32>], vector<16xf32>,
      } else {
      }
      %dma_wait3A = arith.constant 0 : i32
      %dma_wait3A_75 = tpu.memref_slice %arg10[%add3A_62, %dma_wait3A] : memref<32x80xi32, #tpu.memory_space<vmem>> -> memref<1x80xi32, #tpu.memory_space<vmem>>
      %dma_wait3A_76 = tpu.memref_squeeze %dma_wait3A_75 : memref<1x80xi32, #tpu.memory_space<vmem>> -> memref<80xi32, #tpu.memory_space<vmem>>
      %dma_wait3A_77 = arith.constant 0 : i32
      %dma_wait3A_78 = arith.constant 0 : i32
      %dma_wait3A_79 = tpu.memref_slice %arg2[%dma_wait3A_77, %dma_wait3A_78] : memref<10000x128xf32, #tpu.memory_space<hbm>> -> memref<10000x128xf32, #tpu.memory_space<hbm>>
      tpu.wait_indirect_dma semaphore(%arg15 : memref<!tpu.dma_semaphore, #tpu.memory_space<semaphore_mem>>) src(%dma_wait3A_79 : memref<10000x128xf32, #tpu.memory_space<hbm>>) dst(%arg12 : memref<80x128xf32, #tpu.memory_space<vmem>>)
      %lt3A_80 = arith.constant 29 : i32
      %lt3A_81 = arith.cmpi slt, %add3A_62, %lt3A_80 : i32
      %convert_element_type3A_82 = arith.extui %lt3A_81 : i1 to i32
      %cond3A_83 = arith.constant 0 : i32
      %cond3A_84 = arith.cmpi ne, %convert_element_type3A_82, %cond3A_83 : i32
      scf.if %cond3A_84 {
        "tpu.region"() ({
          %run_scoped3A = tpu.sem_alloc : memref<!tpu.dma_semaphore, #tpu.memory_space<semaphore_mem>>
          %dma_start3A_114 = arith.constant 0 : i32
          %dma_start3A_115 = tpu.memref_slice %arg11[%add3A_62, %dma_start3A_114] : memref<32x80xi32, #tpu.memory_space<vmem>> -> memref<1x80xi32, #tpu.memory_space<vmem>>
          %dma_start3A_116 = tpu.memref_squeeze %dma_start3A_115 : memref<1x80xi32, #tpu.memory_space<vmem>> -> memref<80xi32, #tpu.memory_space<vmem>>
          %dma_start3A_117 = arith.constant 0 : i32
          %dma_start3A_118 = arith.constant 0 : i32
          %dma_start3A_119 = tpu.memref_slice %arg9[%dma_start3A_117, %dma_start3A_118] : memref<10000x128xf32, #tpu.memory_space<vmem_shared>> -> memref<10000x128xf32, #tpu.memory_space<vmem_shared>>
          tpu.enqueue_indirect_dma source(%arg12 : memref<80x128xf32, #tpu.memory_space<vmem>>) target(%dma_start3A_119 : memref<10000x128xf32, #tpu.memory_space<vmem_shared>>) offsets(%dma_start3A_116 : memref<80xi32, #tpu.memory_space<vmem>>) semaphore(%run_scoped3A : memref<!tpu.dma_semaphore, #tpu.memory_space<semaphore_mem>>) {add = true}
          %dma_wait3A_120 = arith.constant 0 : i32
          %dma_wait3A_121 = tpu.memref_slice %arg11[%add3A_62, %dma_wait3A_120] : memref<32x80xi32, #tpu.memory_space<vmem>> -> memref<1x80xi32, #tpu.memory_space<vmem>>
          %dma_wait3A_122 = tpu.memref_squeeze %dma_wait3A_121 : memref<1x80xi32, #tpu.memory_space<vmem>> -> memref<80xi32, #tpu.memory_space<vmem>>
          %dma_wait3A_123 = arith.constant 0 : i32
          %dma_wait3A_124 = arith.constant 0 : i32
          %dma_wait3A_125 = tpu.memref_slice %arg9[%dma_wait3A_123, %dma_wait3A_124] : memref<10000x128xf32, #tpu.memory_space<vmem_shared>> -> memref<10000x128xf32, #tpu.memory_space<vmem_shared>>
          tpu.wait_indirect_dma semaphore(%run_scoped3A : memref<!tpu.dma_semaphore, #tpu.memory_space<semaphore_mem>>) src(%arg12 : memref<80x128xf32, #tpu.memory_space<vmem>>) dst(%dma_wait3A_125 : memref<10000x128xf32, #tpu.memory_space<vmem_shared>>)
          tpu.yield
        }) : () -> ()
      } else {
      }
      %add3A_85 = arith.constant 2 : i32
      %add3A_86 = arith.addi %add3A_62, %add3A_85 : i32
      %lt3A_87 = arith.constant 32 : i32
      %lt3A_88 = arith.cmpi slt, %add3A_86, %lt3A_87 : i32
      %convert_element_type3A_89 = arith.extui %lt3A_88 : i1 to i32
      %cond3A_90 = arith.constant 0 : i32
      %cond3A_91 = arith.cmpi ne, %convert_element_type3A_89, %cond3A_90 : i32
      scf.if %cond3A_91 {
        %add3A_114 = arith.constant 2 : i32
        %add3A_115 = arith.addi %add3A_62, %add3A_114 : i32
        %dma_start3A_116 = arith.constant 0 : i32
        %dma_start3A_117 = tpu.memref_slice %arg10[%add3A_115, %dma_start3A_116] : memref<32x80xi32, #tpu.memory_space<vmem>> -> memref<1x80xi32, #tpu.memory_space<vmem>>
        %dma_start3A_118 = tpu.memref_squeeze %dma_start3A_117 : memref<1x80xi32, #tpu.memory_space<vmem>> -> memref<80xi32, #tpu.memory_space<vmem>>
        %dma_start3A_119 = arith.constant 0 : i32
        %dma_start3A_120 = arith.constant 0 : i32
        %dma_start3A_121 = tpu.memref_slice %arg2[%dma_start3A_119, %dma_start3A_120] : memref<10000x128xf32, #tpu.memory_space<hbm>> -> memref<10000x128xf32, #tpu.memory_space<hbm>>
        tpu.enqueue_indirect_dma source(%dma_start3A_121 : memref<10000x128xf32, #tpu.memory_space<hbm>>) target(%arg12 : memref<80x128xf32, #tpu.memory_space<vmem>>) offsets(%dma_start3A_118 : memref<80xi32, #tpu.memory_space<vmem>>) semaphore(%arg15 : memref<!tpu.dma_semaphore, #tpu.memory_space<semaphore_mem>>)
      } else {
      }
      %add3A_92 = arith.constant 1 : i32
      %add3A_93 = arith.addi %add3A_62, %add3A_92 : i32
      %lt3A_94 = arith.constant 29 : i32
      %lt3A_95 = arith.cmpi slt, %add3A_93, %lt3A_94 : i32
      %convert_element_type3A_96 = arith.extui %lt3A_95 : i1 to i32
      %cond3A_97 = arith.constant 0 : i32
      %cond3A_98 = arith.cmpi ne, %convert_element_type3A_96, %cond3A_97 : i32
      scf.if %cond3A_98 {
        %add3A_114 = arith.constant 1 : i32
        %add3A_115 = arith.addi %add3A_62, %add3A_114 : i32
        %get3A = arith.index_cast %add3A_115 : i32 to index
        %get3A_116 = arith.constant 0 : index
        %get3A_117 = tpu.vector_load %arg11[%get3A, %get3A_116] {strides = array<i32>} : memref<32x80xi32, #tpu.memory_space<vmem>>, vector<16xi32>,
        tpu.vector_store_idx %arg14[%get3A_117], %broadcast_in_dim3A_3 {add = true} : memref<10000xf32, #tpu.memory_space<vmem>>[vector<16xi32>], vector<16xf32>,
        %get3A_118 = arith.index_cast %add3A_115 : i32 to index
        %get3A_119 = arith.constant 16 : index
        %get3A_120 = tpu.vector_load %arg11[%get3A_118, %get3A_119] {strides = array<i32>} : memref<32x80xi32, #tpu.memory_space<vmem>>, vector<16xi32>,
        tpu.vector_store_idx %arg14[%get3A_120], %broadcast_in_dim3A_3 {add = true} : memref<10000xf32, #tpu.memory_space<vmem>>[vector<16xi32>], vector<16xf32>,
        %get3A_121 = arith.index_cast %add3A_115 : i32 to index
        %get3A_122 = arith.constant 32 : index
        %get3A_123 = tpu.vector_load %arg11[%get3A_121, %get3A_122] {strides = array<i32>} : memref<32x80xi32, #tpu.memory_space<vmem>>, vector<16xi32>,
        tpu.vector_store_idx %arg14[%get3A_123], %broadcast_in_dim3A_3 {add = true} : memref<10000xf32, #tpu.memory_space<vmem>>[vector<16xi32>], vector<16xf32>,
        %get3A_124 = arith.index_cast %add3A_115 : i32 to index
        %get3A_125 = arith.constant 48 : index
        %get3A_126 = tpu.vector_load %arg11[%get3A_124, %get3A_125] {strides = array<i32>} : memref<32x80xi32, #tpu.memory_space<vmem>>, vector<16xi32>,
        tpu.vector_store_idx %arg14[%get3A_126], %broadcast_in_dim3A_3 {add = true} : memref<10000xf32, #tpu.memory_space<vmem>>[vector<16xi32>], vector<16xf32>,
        %get3A_127 = arith.index_cast %add3A_115 : i32 to index
        %get3A_128 = arith.constant 64 : index
        %get3A_129 = tpu.vector_load %arg11[%get3A_127, %get3A_128] {strides = array<i32>} : memref<32x80xi32, #tpu.memory_space<vmem>>, vector<16xi32>,
        tpu.vector_store_idx %arg14[%get3A_129], %broadcast_in_dim3A_3 {add = true} : memref<10000xf32, #tpu.memory_space<vmem>>[vector<16xi32>], vector<16xf32>,
      } else {
      }
      %add3A_99 = arith.constant 1 : i32
      %add3A_100 = arith.addi %add3A_62, %add3A_99 : i32
      %dma_wait3A_101 = arith.constant 0 : i32
      %dma_wait3A_102 = tpu.memref_slice %arg10[%add3A_100, %dma_wait3A_101] : memref<32x80xi32, #tpu.memory_space<vmem>> -> memref<1x80xi32, #tpu.memory_space<vmem>>
      %dma_wait3A_103 = tpu.memref_squeeze %dma_wait3A_102 : memref<1x80xi32, #tpu.memory_space<vmem>> -> memref<80xi32, #tpu.memory_space<vmem>>
      %dma_wait3A_104 = arith.constant 0 : i32
      %dma_wait3A_105 = arith.constant 0 : i32
      %dma_wait3A_106 = tpu.memref_slice %arg2[%dma_wait3A_104, %dma_wait3A_105] : memref<10000x128xf32, #tpu.memory_space<hbm>> -> memref<10000x128xf32, #tpu.memory_space<hbm>>
      tpu.wait_indirect_dma semaphore(%arg16 : memref<!tpu.dma_semaphore, #tpu.memory_space<semaphore_mem>>) src(%dma_wait3A_106 : memref<10000x128xf32, #tpu.memory_space<hbm>>) dst(%arg13 : memref<80x128xf32, #tpu.memory_space<vmem>>)
      %add3A_107 = arith.constant 1 : i32
      %add3A_108 = arith.addi %add3A_62, %add3A_107 : i32
      %lt3A_109 = arith.constant 29 : i32
      %lt3A_110 = arith.cmpi slt, %add3A_108, %lt3A_109 : i32
      %convert_element_type3A_111 = arith.extui %lt3A_110 : i1 to i32
      %cond3A_112 = arith.constant 0 : i32
      %cond3A_113 = arith.cmpi ne, %convert_element_type3A_111, %cond3A_112 : i32
      scf.if %cond3A_113 {
        %add3A_114 = arith.constant 1 : i32
        %add3A_115 = arith.addi %add3A_62, %add3A_114 : i32
        "tpu.region"() ({
          %run_scoped3A = tpu.sem_alloc : memref<!tpu.dma_semaphore, #tpu.memory_space<semaphore_mem>>
          %dma_start3A_116 = arith.constant 0 : i32
          %dma_start3A_117 = tpu.memref_slice %arg11[%add3A_115, %dma_start3A_116] : memref<32x80xi32, #tpu.memory_space<vmem>> -> memref<1x80xi32, #tpu.memory_space<vmem>>
          %dma_start3A_118 = tpu.memref_squeeze %dma_start3A_117 : memref<1x80xi32, #tpu.memory_space<vmem>> -> memref<80xi32, #tpu.memory_space<vmem>>
          %dma_start3A_119 = arith.constant 0 : i32
          %dma_start3A_120 = arith.constant 0 : i32
          %dma_start3A_121 = tpu.memref_slice %arg9[%dma_start3A_119, %dma_start3A_120] : memref<10000x128xf32, #tpu.memory_space<vmem_shared>> -> memref<10000x128xf32, #tpu.memory_space<vmem_shared>>
          tpu.enqueue_indirect_dma source(%arg13 : memref<80x128xf32, #tpu.memory_space<vmem>>) target(%dma_start3A_121 : memref<10000x128xf32, #tpu.memory_space<vmem_shared>>) offsets(%dma_start3A_118 : memref<80xi32, #tpu.memory_space<vmem>>) semaphore(%run_scoped3A : memref<!tpu.dma_semaphore, #tpu.memory_space<semaphore_mem>>) {add = true}
          %dma_wait3A_122 = arith.constant 0 : i32
          %dma_wait3A_123 = tpu.memref_slice %arg11[%add3A_115, %dma_wait3A_122] : memref<32x80xi32, #tpu.memory_space<vmem>> -> memref<1x80xi32, #tpu.memory_space<vmem>>
          %dma_wait3A_124 = tpu.memref_squeeze %dma_wait3A_123 : memref<1x80xi32, #tpu.memory_space<vmem>> -> memref<80xi32, #tpu.memory_space<vmem>>
          %dma_wait3A_125 = arith.constant 0 : i32
          %dma_wait3A_126 = arith.constant 0 : i32
          %dma_wait3A_127 = tpu.memref_slice %arg9[%dma_wait3A_125, %dma_wait3A_126] : memref<10000x128xf32, #tpu.memory_space<vmem_shared>> -> memref<10000x128xf32, #tpu.memory_space<vmem_shared>>
          tpu.wait_indirect_dma semaphore(%run_scoped3A : memref<!tpu.dma_semaphore, #tpu.memory_space<semaphore_mem>>) src(%arg13 : memref<80x128xf32, #tpu.memory_space<vmem>>) dst(%dma_wait3A_127 : memref<10000x128xf32, #tpu.memory_space<vmem_shared>>)
          tpu.yield
        }) : () -> ()
      } else {
      }
    }
    %scan3A_51 = arith.constant 16 : i32
    %barrier3A_52 = arith.constant 0 : index
    tpu.barrier barrier_id(%barrier3A_52)
    "tpu.region"() ({
      %run_scoped3A = tpu.sem_alloc : memref<!tpu.dma_semaphore, #tpu.memory_space<semaphore_mem>>
      %dma_start3A_58 = arith.constant 0 : i32
      %dma_start3A_59 = arith.constant 0 : i32
      %dma_start3A_60 = tpu.memref_slice %arg7[%arg0, %dma_start3A_58, %dma_start3A_59] : memref<2x10000x128xf32, #tpu.memory_space<hbm>> -> memref<1x10000x128xf32, #tpu.memory_space<hbm>>
      %dma_start3A_61 = tpu.memref_squeeze %dma_start3A_60 : memref<1x10000x128xf32, #tpu.memory_space<hbm>> -> memref<10000x128xf32, #tpu.memory_space<hbm>>
      %dma_start3A_62 = arith.constant 0 : i32
      %dma_start3A_63 = tpu.memref_slice %dma_start3A_61[%mul3A_2, %dma_start3A_62] : memref<10000x128xf32, #tpu.memory_space<hbm>> -> memref<624x128xf32, #tpu.memory_space<hbm>>
      %dma_start3A_64 = arith.constant 0 : i32
      %dma_start3A_65 = tpu.memref_slice %arg9[%mul3A_2, %dma_start3A_64] : memref<10000x128xf32, #tpu.memory_space<vmem_shared>> -> memref<624x128xf32, #tpu.memory_space<vmem_shared>>
      tpu.enqueue_dma source(%dma_start3A_65 : memref<624x128xf32, #tpu.memory_space<vmem_shared>>) target(%dma_start3A_63 : memref<624x128xf32, #tpu.memory_space<hbm>>) target_semaphore(%run_scoped3A : memref<!tpu.dma_semaphore, #tpu.memory_space<semaphore_mem>>)
      %dma_wait3A = arith.constant 0 : i32
      %dma_wait3A_66 = arith.constant 0 : i32
      %dma_wait3A_67 = tpu.memref_slice %arg7[%arg0, %dma_wait3A, %dma_wait3A_66] : memref<2x10000x128xf32, #tpu.memory_space<hbm>> -> memref<1x10000x128xf32, #tpu.memory_space<hbm>>
      %dma_wait3A_68 = tpu.memref_squeeze %dma_wait3A_67 : memref<1x10000x128xf32, #tpu.memory_space<hbm>> -> memref<10000x128xf32, #tpu.memory_space<hbm>>
      %dma_wait3A_69 = arith.constant 0 : i32
      %dma_wait3A_70 = tpu.memref_slice %dma_wait3A_68[%mul3A_2, %dma_wait3A_69] : memref<10000x128xf32, #tpu.memory_space<hbm>> -> memref<624x128xf32, #tpu.memory_space<hbm>>
      %dma_wait3A_71 = arith.constant 0 : i32
      %dma_wait3A_72 = tpu.memref_slice %arg9[%mul3A_2, %dma_wait3A_71] : memref<10000x128xf32, #tpu.memory_space<vmem_shared>> -> memref<624x128xf32, #tpu.memory_space<vmem_shared>>
      tpu.wait_dma2 semaphore(%run_scoped3A : memref<!tpu.dma_semaphore, #tpu.memory_space<semaphore_mem>>) src(%dma_wait3A_72 : memref<624x128xf32, #tpu.memory_space<vmem_shared>>) dst(%dma_wait3A_70 : memref<624x128xf32, #tpu.memory_space<hbm>>)
      tpu.yield
    }) : () -> ()
    "tpu.region"() ({
      %run_scoped3A = tpu.sem_alloc : memref<!tpu.dma_semaphore, #tpu.memory_space<semaphore_mem>>
      %dma_start3A_58 = arith.constant 0 : i32
      %dma_start3A_59 = arith.constant 0 : i32
      %dma_start3A_60 = tpu.memref_slice %arg8[%arg0, %dma_start3A_58, %dma_start3A_59] : memref<2x16x10000xf32, #tpu.memory_space<hbm>> -> memref<1x16x10000xf32, #tpu.memory_space<hbm>>
      %dma_start3A_61 = tpu.memref_squeeze %dma_start3A_60 : memref<1x16x10000xf32, #tpu.memory_space<hbm>> -> memref<16x10000xf32, #tpu.memory_space<hbm>>
      %dma_start3A_62 = arith.constant 0 : i32
      %dma_start3A_63 = tpu.memref_slice %dma_start3A_61[%arg1, %dma_start3A_62] : memref<16x10000xf32, #tpu.memory_space<hbm>> -> memref<1x10000xf32, #tpu.memory_space<hbm>>
      %dma_start3A_64 = tpu.memref_squeeze %dma_start3A_63 : memref<1x10000xf32, #tpu.memory_space<hbm>> -> memref<10000xf32, #tpu.memory_space<hbm>>
      %dma_start3A_65 = arith.constant 0 : i32
      %dma_start3A_66 = arith.constant 0 : i32
      %dma_start3A_67 = tpu.memref_slice %arg8[%arg0, %dma_start3A_65, %dma_start3A_66] : memref<2x16x10000xf32, #tpu.memory_space<hbm>> -> memref<1x16x10000xf32, #tpu.memory_space<hbm>>
      %dma_start3A_68 = tpu.memref_squeeze %dma_start3A_67 : memref<1x16x10000xf32, #tpu.memory_space<hbm>> -> memref<16x10000xf32, #tpu.memory_space<hbm>>
      %dma_start3A_69 = arith.constant 0 : i32
      %dma_start3A_70 = tpu.memref_slice %dma_start3A_68[%arg1, %dma_start3A_69] : memref<16x10000xf32, #tpu.memory_space<hbm>> -> memref<1x10000xf32, #tpu.memory_space<hbm>>
      %dma_start3A_71 = tpu.memref_squeeze %dma_start3A_70 : memref<1x10000xf32, #tpu.memory_space<hbm>> -> memref<10000xf32, #tpu.memory_space<hbm>>
      tpu.enqueue_dma source(%arg14 : memref<10000xf32, #tpu.memory_space<vmem>>) target(%dma_start3A_71 : memref<10000xf32, #tpu.memory_space<hbm>>) target_semaphore(%run_scoped3A : memref<!tpu.dma_semaphore, #tpu.memory_space<semaphore_mem>>)
      %dma_wait3A = arith.constant 0 : i32
      %dma_wait3A_72 = arith.constant 0 : i32
      %dma_wait3A_73 = tpu.memref_slice %arg8[%arg0, %dma_wait3A, %dma_wait3A_72] : memref<2x16x10000xf32, #tpu.memory_space<hbm>> -> memref<1x16x10000xf32, #tpu.memory_space<hbm>>
      %dma_wait3A_74 = tpu.memref_squeeze %dma_wait3A_73 : memref<1x16x10000xf32, #tpu.memory_space<hbm>> -> memref<16x10000xf32, #tpu.memory_space<hbm>>
      %dma_wait3A_75 = arith.constant 0 : i32
      %dma_wait3A_76 = tpu.memref_slice %dma_wait3A_74[%arg1, %dma_wait3A_75] : memref<16x10000xf32, #tpu.memory_space<hbm>> -> memref<1x10000xf32, #tpu.memory_space<hbm>>
      %dma_wait3A_77 = tpu.memref_squeeze %dma_wait3A_76 : memref<1x10000xf32, #tpu.memory_space<hbm>> -> memref<10000xf32, #tpu.memory_space<hbm>>
      %dma_wait3A_78 = arith.constant 0 : i32
      %dma_wait3A_79 = arith.constant 0 : i32
      %dma_wait3A_80 = tpu.memref_slice %arg8[%arg0, %dma_wait3A_78, %dma_wait3A_79] : memref<2x16x10000xf32, #tpu.memory_space<hbm>> -> memref<1x16x10000xf32, #tpu.memory_space<hbm>>
      %dma_wait3A_81 = tpu.memref_squeeze %dma_wait3A_80 : memref<1x16x10000xf32, #tpu.memory_space<hbm>> -> memref<16x10000xf32, #tpu.memory_space<hbm>>
      %dma_wait3A_82 = arith.constant 0 : i32
      %dma_wait3A_83 = tpu.memref_slice %dma_wait3A_81[%arg1, %dma_wait3A_82] : memref<16x10000xf32, #tpu.memory_space<hbm>> -> memref<1x10000xf32, #tpu.memory_space<hbm>>
      %dma_wait3A_84 = tpu.memref_squeeze %dma_wait3A_83 : memref<1x10000xf32, #tpu.memory_space<hbm>> -> memref<10000xf32, #tpu.memory_space<hbm>>
      tpu.wait_dma2 semaphore(%run_scoped3A : memref<!tpu.dma_semaphore, #tpu.memory_space<semaphore_mem>>) src(%arg14 : memref<10000xf32, #tpu.memory_space<vmem>>) dst(%dma_wait3A_84 : memref<10000xf32, #tpu.memory_space<hbm>>)
      tpu.yield
    }) : () -> ()
    %eq3A_53 = arith.constant 0 : i32
    %eq3A_54 = arith.cmpi eq, %arg1, %eq3A_53 : i32
    %convert_element_type3A_55 = arith.extui %eq3A_54 : i1 to i32
    %cond3A_56 = arith.constant 0 : i32
    %cond3A_57 = arith.cmpi ne, %convert_element_type3A_55, %cond3A_56 : i32
    scf.if %cond3A_57 {
      "tpu.region"() ({
        %run_scoped3A = tpu.sem_alloc : memref<!tpu.dma_semaphore, #tpu.memory_space<semaphore_mem>>
        %dma_start3A_58 = arith.constant 0 : i32
        %dma_start3A_59 = arith.constant 0 : i32
        %dma_start3A_60 = tpu.memref_slice %arg7[%arg0, %dma_start3A_58, %dma_start3A_59] : memref<2x10000x128xf32, #tpu.memory_space<hbm>> -> memref<1x10000x128xf32, #tpu.memory_space<hbm>>
        %dma_start3A_61 = tpu.memref_squeeze %dma_start3A_60 : memref<1x10000x128xf32, #tpu.memory_space<hbm>> -> memref<10000x128xf32, #tpu.memory_space<hbm>>
        %dma_start3A_62 = arith.constant 9984 : i32
        %dma_start3A_63 = arith.constant 0 : i32
        %dma_start3A_64 = tpu.memref_slice %dma_start3A_61[%dma_start3A_62, %dma_start3A_63] : memref<10000x128xf32, #tpu.memory_space<hbm>> -> memref<16x128xf32, #tpu.memory_space<hbm>>
        %dma_start3A_65 = arith.constant 9984 : i32
        %dma_start3A_66 = arith.constant 0 : i32
        %dma_start3A_67 = tpu.memref_slice %arg9[%dma_start3A_65, %dma_start3A_66] : memref<10000x128xf32, #tpu.memory_space<vmem_shared>> -> memref<16x128xf32, #tpu.memory_space<vmem_shared>>
        tpu.enqueue_dma source(%dma_start3A_67 : memref<16x128xf32, #tpu.memory_space<vmem_shared>>) target(%dma_start3A_64 : memref<16x128xf32, #tpu.memory_space<hbm>>) target_semaphore(%run_scoped3A : memref<!tpu.dma_semaphore, #tpu.memory_space<semaphore_mem>>)
        %dma_wait3A = arith.constant 0 : i32
        %dma_wait3A_68 = arith.constant 0 : i32
        %dma_wait3A_69 = tpu.memref_slice %arg7[%arg0, %dma_wait3A, %dma_wait3A_68] : memref<2x10000x128xf32, #tpu.memory_space<hbm>> -> memref<1x10000x128xf32, #tpu.memory_space<hbm>>
        %dma_wait3A_70 = tpu.memref_squeeze %dma_wait3A_69 : memref<1x10000x128xf32, #tpu.memory_space<hbm>> -> memref<10000x128xf32, #tpu.memory_space<hbm>>
        %dma_wait3A_71 = arith.constant 9984 : i32
        %dma_wait3A_72 = arith.constant 0 : i32
        %dma_wait3A_73 = tpu.memref_slice %dma_wait3A_70[%dma_wait3A_71, %dma_wait3A_72] : memref<10000x128xf32, #tpu.memory_space<hbm>> -> memref<16x128xf32, #tpu.memory_space<hbm>>
        %dma_wait3A_74 = arith.constant 9984 : i32
        %dma_wait3A_75 = arith.constant 0 : i32
        %dma_wait3A_76 = tpu.memref_slice %arg9[%dma_wait3A_74, %dma_wait3A_75] : memref<10000x128xf32, #tpu.memory_space<vmem_shared>> -> memref<16x128xf32, #tpu.memory_space<vmem_shared>>
        tpu.wait_dma2 semaphore(%run_scoped3A : memref<!tpu.dma_semaphore, #tpu.memory_space<semaphore_mem>>) src(%dma_wait3A_76 : memref<16x128xf32, #tpu.memory_space<vmem_shared>>) dst(%dma_wait3A_73 : memref<16x128xf32, #tpu.memory_space<hbm>>)
        tpu.yield
      }) : () -> ()
    } else {
    }
    return
  }
}

module attributes {stable_mosaic.version = 14 : i64} {
  func.func @body(%arg0: i32, %arg1: memref<1000x128xf32, #tpu.memory_space<vmem>>, %arg2: memref<1000x128xf32, #tpu.memory_space<vmem>>, %arg3: memref<1000x128xf32, #tpu.memory_space<vmem>>, %arg4: memref<1000x32xf32, #tpu.memory_space<vmem>>, %arg5: memref<128x128xf32, #tpu.memory_space<vmem>>, %arg6: memref<1000x128xf32, #tpu.memory_space<vmem>>) attributes {dimension_semantics = [#tpu.dimension_semantics<arbitrary>], iteration_bounds = array<i64: 10>, scalar_prefetch = 0 : i64, scratch_operands = 0 : i64, tpu.core_type = #tpu.core_type<tc>, window_params = [{transform_indices = @transform_0, window_bounds = array<i64: 1000, 128>}, {transform_indices = @transform_1, window_bounds = array<i64: 1000, 128>}, {transform_indices = @transform_2, window_bounds = array<i64: 1000, 128>}, {transform_indices = @transform_3, window_bounds = array<i64: 1000, 32>}, {pipeline_mode = #tpu.pipeline_mode<synchronous>, transform_indices = @transform_4, window_bounds = array<i64: 128, 128>}, {transform_indices = @transform_5, window_bounds = array<i64: 1000, 128>}]} {
    %get3A = arith.constant 0 : index
    %get3A_0 = arith.constant 0 : index
    %get3A_1 = vector.load %arg1[%get3A, %get3A_0] : memref<1000x128xf32, #tpu.memory_space<vmem>>, vector<1000x128xf32>
    %get3A_2 = arith.constant 0 : index
    %get3A_3 = arith.constant 0 : index
    %get3A_4 = vector.load %arg2[%get3A_2, %get3A_3] : memref<1000x128xf32, #tpu.memory_space<vmem>>, vector<1000x128xf32>
    %add3A = arith.addf %get3A_1, %get3A_4 : vector<1000x128xf32>
    %get3A_5 = arith.constant 0 : index
    %get3A_6 = arith.constant 0 : index
    %get3A_7 = vector.load %arg3[%get3A_5, %get3A_6] : memref<1000x128xf32, #tpu.memory_space<vmem>>, vector<1000x128xf32>
    %add3A_8 = arith.addf %add3A, %get3A_7 : vector<1000x128xf32>
    %get3A_9 = arith.constant 0 : index
    %get3A_10 = arith.constant 0 : index
    %get3A_11 = vector.load %arg5[%get3A_9, %get3A_10] : memref<128x128xf32, #tpu.memory_space<vmem>>, vector<128x128xf32>
    %dot_general3A = arith.constant dense<0.000000e+00> : vector<1000x128xf32>
    %dot_general3A_12 = tpu.matmul %add3A_8, %get3A_11, %dot_general3A {dimension_numbers = #tpu.dot_dimension_numbers<[1], [0], [0], [1], [0, 0, 1, 1], [], []>, transpose_lhs_hint = false} : vector<1000x128xf32>, vector<128x128xf32>, vector<1000x128xf32> -> vector<1000x128xf32>
    %get3A_13 = arith.constant 0 : index
    %get3A_14 = arith.constant 0 : index
    %get3A_15 = vector.load %arg4[%get3A_13, %get3A_14] : memref<1000x32xf32, #tpu.memory_space<vmem>>, vector<1000x32xf32>
    %reduce_sum3A = arith.constant dense<0.000000e+00> : vector<1000xf32>
    %reduce_sum3A_16 = vector.multi_reduction <add>, %get3A_15, %reduce_sum3A [1] : vector<1000x32xf32> to vector<1000xf32>
    %broadcast_in_dim3A = vector.shape_cast %reduce_sum3A_16 : vector<1000xf32> to vector<1000x1xf32>
    %add3A_17 = arith.constant 1.000000e+00 : f32
    %add3A_18 = vector.broadcast %add3A_17 : f32 to vector<1000x1xf32>
    %add3A_19 = arith.addf %broadcast_in_dim3A, %add3A_18 : vector<1000x1xf32>
    %div3A = vector.broadcast %add3A_19 : vector<1000x1xf32> to vector<1000x128xf32>
    %div3A_20 = arith.divf %dot_general3A_12, %div3A : vector<1000x128xf32>
    %max3A = arith.constant 0.000000e+00 : f32
    %max3A_21 = vector.broadcast %max3A : f32 to vector<1000x128xf32>
    %max3A_22 = arith.maximumf %div3A_20, %max3A_21 : vector<1000x128xf32>
    %swap3A = arith.constant 0 : index
    %swap3A_23 = arith.constant 0 : index
    %swap3A_24 = vector.load %arg6[%swap3A, %swap3A_23] : memref<1000x128xf32, #tpu.memory_space<vmem>>, vector<1000x128xf32>
    tpu.vector_store %arg6[%swap3A, %swap3A_23], %max3A_22 {strides = array<i32>} : memref<1000x128xf32, #tpu.memory_space<vmem>>, vector<1000x128xf32>,
    return
  }
  func.func @transform_0(%arg0: i32) -> (i32, i32) {
    %c0_i32 = arith.constant 0 : i32
    %c0_i32_0 = arith.constant 0 : i32
    return %arg0, %c0_i32 : i32, i32
  }
  func.func @transform_1(%arg0: i32) -> (i32, i32) {
    %c0_i32 = arith.constant 0 : i32
    %c0_i32_0 = arith.constant 0 : i32
    return %arg0, %c0_i32 : i32, i32
  }
  func.func @transform_2(%arg0: i32) -> (i32, i32) {
    %c0_i32 = arith.constant 0 : i32
    %c0_i32_0 = arith.constant 0 : i32
    return %arg0, %c0_i32 : i32, i32
  }
  func.func @transform_3(%arg0: i32) -> (i32, i32) {
    %c0_i32 = arith.constant 0 : i32
    %c0_i32_0 = arith.constant 0 : i32
    return %arg0, %c0_i32 : i32, i32
  }
  func.func @transform_4(%arg0: i32) -> (i32, i32) {
    %c0_i32 = arith.constant 0 : i32
    %c0_i32_0 = arith.constant 0 : i32
    %c0_i32_1 = arith.constant 0 : i32
    return %c0_i32, %c0_i32_0 : i32, i32
  }
  func.func @transform_5(%arg0: i32) -> (i32, i32) {
    %c0_i32 = arith.constant 0 : i32
    %c0_i32_0 = arith.constant 0 : i32
    return %arg0, %c0_i32 : i32, i32
  }
}

</mosaic_0001>

<sc_bundles>
// kernel: kernel.4.cloned.1.call-start
scs
__scs_entry_jumppad:
0x0: {  	(pc) =	sbr.rel $0x88, $3  }
0x1: {  	(tag) =	ssettag $0x0;
	lr =	simm.s32 $0x1  }
0x2: {  	[smem:$0x3F9E] =	sst lr;
	_ =	strace $0xD0000000  }
0x3: {  	_ = 	snop  }
0x4: {  	_ = 	snop  }
0x5: {  	_ = 	snop  }
0x6: {  	_ = 	snop  }
0x7: {  	_ = 	snop  }
__scs_overlays_trampoline_lowered:
0x8: {  	[smem:$0x3FAD] =	sst s0  }
0x9: {  	[smem:$0x3FAE] =	sst s1  }
0xa: {  	[smem:$0x3FAF] =	sst s2  }
0xb: {  	[smem:$0x3FB0] =	sst s3  }
0xc: {  	[smem:$0x3FB1] =	sst s4  }
0xd: {  	[smem:$0x3FB2] =	sst s5  }
0xe: {  	[smem:$0x3FB3] =	sst s6  }
0xf: {  	[smem:$0x3FB4] =	sst s7  }
0x10: {  	[smem:$0x3FB5] =	sst s8  }
0x11: {  	[smem:$0x3FB6] =	sst s9;
	s0 =	simm.s32 @!p0 $0x0  }
0x12: {  	s1 =	sld [smem:$0x3F9C];
	s0 =	simm.s32 @p0 $0x1  }
0x13: {  	[smem:$0x3FB7] =	sst s0;
	s0 =	simm.s32 @!p1 $0x0  }
0x14: {  	s2 =	sld [smem:$0x3F9B];
	s0 =	simm.s32 @p1 $0x1  }
0x15: {  	[smem:$0x3FB8] =	sst s0;
	s0 =	simm.s32 @!p2 $0x0  }
0x16: {  	s3 =	sld [smem:$0x3FDB];
	s0 =	simm.s32 @p2 $0x1  }
0x17: {  	s4 =	simm.s32 $0x1BF5;
	[smem:$0x3FBA] =	sst s0  }
0x18: {  	s0 =	sld [smem:$0x3F9D];
	_ =	swait.ge [sflag:s4], $0x0  }
0x19: {  	s7 =	sld [smem:$0x3F9E]  }
0x1a: {  	s8 =	sadd.s32 $0xFFFFE003, lr  }
0x1b: {  	s9 =	sadd.s32 $0xFFFFFEF7, lr;
	s5 =	simm.s32 $0xFFFFFFFF;
	p2 =	slt.u32 s8, $0xFFFFF086  }
0x1c: {  	p1 =	slt.u32 s9, $0xF7A;
	s5 =	simm.s32 @!p2 $0x0  }
0x1d: {  	s5 =	simm.s32 @p1 $0x1;
	p0 =	seq.s32 s7, s2  }
0x1e: {  	s7 =	smul.u32 @!p0 $0xF7A, s2;
	p2 =	seq.s32 @!p0 s5, $0x0  }
0x1f: {  	s9 =	smul.u32 $0xF7A, s1;
	s8 =	simm.s32 @!p0 $0x1BF5;
	p2 =	por !p2, p0  }
0x20: {  	[sflag:s8] =	ssyncset.s32 @!p0 $0xFFFFF086;
	s6 =	sadd.s32 @!p0 s3, s7;
	s7 =	simm.s32 @!p0 $0x108  }
0x21: {  	s3 =	sadd.s32 s3, s9;
	s6 =	sadd.s32 @!p0 $0x88, s6;
	s7 =	simm.s32 @p2 $0x1082  }
0x22: {  	[simem:s7], [sflag:s8] =	dma.local @!p0 [hbm:s6], $0xF7A  }
0x23: {  	s9 =	sor.u32 $0xD0000000, s2;
	s6 =	simm.s32 $0x108;
	_ =	swait.ge @!p0 [sflag:s8], $0x0  }
0x24: {  	s3 =	sadd.s32 $0x88, s3;
	s6 =	simm.s32 @!p1 $0x1082;
	[sflag:s4] =	ssyncset.s32 $0xFFFFF086  }
0x25: {  	[simem:s6], [sflag:s4] =	dma.local [hbm:s3], $0xF7A  }
0x26: {  	[smem:$0x3F9E] =	sst s1;
	(tag) =	ssettag s2;
	_ =	strace s9  }
0x27: {  	s1 =	sld [smem:$0x3FAE]  }
0x28: {  	s2 =	sld [smem:$0x3FAF]  }
0x29: {  	s4 =	sld [smem:$0x3FB1]  }
0x2a: {  	p0 =	seq.s32 s5, $0x0;
	s5 =	sld [smem:$0x3FB2]  }
0x2b: {  	s6 =	sld [smem:$0x3FB3]  }
0x2c: {  	s7 =	sld [smem:$0x3FB4]  }
0x2d: {  	s3 =	simm.s32 $0x108;
	s8 =	sld [smem:$0x3FB5]  }
0x2e: {  	s3 =	simm.s32 @!p0 $0x1082;
	s9 =	sld [smem:$0x3FB6]  }
0x2f: {  	lr =	sadd.s32 s0, s3;
	s0 =	sld [smem:$0x3FAD]  }
0x30: {  	s3 =	sld [smem:$0x3FB0]  }
0x31: {  	[smem:$0x3FB9] =	sst s10  }
0x32: {  	s10 =	sld [smem:$0x3FB7];
	_ =	sdelay $0x3  }
0x33: {  	p0 =	seq.s32 s10, $0x1;
	s10 =	sld [smem:$0x3FB9];
	_ =	sdelay $0x3  }
0x34: {  	[smem:$0x3FB9] =	sst s10  }
0x35: {  	s10 =	sld [smem:$0x3FB8];
	_ =	sdelay $0x3  }
0x36: {  	p1 =	seq.s32 s10, $0x1;
	s10 =	sld [smem:$0x3FB9];
	_ =	sdelay $0x3  }
0x37: {  	[smem:$0x3FB9] =	sst s10  }
0x38: {  	s10 =	sld [smem:$0x3FBA]  }
0x39: {  	_ = 	snop;
	(pc) =	sbr.ind lr, $3  }
0x3a: {  	_ = 	snop  }
0x3b: {  	_ = 	snop  }
0x3c: {  	p2 =	seq.s32 s10, $0x1;
	s10 =	sld [smem:$0x3FB9]  }
0x3d: {  	_ =	shalt  }
0x3e: {  	_ =	shalt  }
0x3f: {  	_ =	shalt  }
0x40: {  	_ =	shalt  }
0x41: {  	_ =	shalt  }
0x42: {  	_ =	shalt  }
0x43: {  	_ =	shalt  }
0x44: {  	_ =	shalt  }
0x45: {  	_ =	shalt  }
0x46: {  	_ =	shalt  }
0x47: {  	_ =	shalt  }
0x48: {  	_ =	shalt  }
0x49: {  	_ =	shalt  }
0x4a: {  	_ =	shalt  }
0x4b: {  	_ =	shalt  }
0x4c: {  	_ =	shalt  }
0x4d: {  	_ =	shalt  }
0x4e: {  	_ =	shalt  }
0x4f: {  	_ =	shalt  }
0x50: {  	_ =	shalt  }
0x51: {  	_ =	shalt  }
0x52: {  	_ =	shalt  }
0x53: {  	_ =	shalt  }
0x54: {  	_ =	shalt  }
0x55: {  	_ =	shalt  }
0x56: {  	_ =	shalt  }
0x57: {  	_ =	shalt  }
0x58: {  	_ =	shalt  }
0x59: {  	_ =	shalt  }
0x5a: {  	_ =	shalt  }
0x5b: {  	_ =	shalt  }
0x5c: {  	_ =	shalt  }
0x5d: {  	_ =	shalt  }
0x5e: {  	_ =	shalt  }
0x5f: {  	_ =	shalt  }
0x60: {  	_ =	shalt  }
0x61: {  	_ =	shalt  }
0x62: {  	_ =	shalt  }
0x63: {  	_ =	shalt  }
0x64: {  	_ =	shalt  }
0x65: {  	_ =	shalt  }
0x66: {  	_ =	shalt  }
0x67: {  	_ =	shalt  }
0x68: {  	_ =	shalt  }
0x69: {  	_ =	shalt  }
0x6a: {  	_ =	shalt  }
0x6b: {  	_ =	shalt  }
0x6c: {  	_ =	shalt  }
0x6d: {  	_ =	shalt  }
0x6e: {  	_ =	shalt  }
0x6f: {  	_ =	shalt  }
0x70: {  	_ =	shalt  }
0x71: {  	_ =	shalt  }
0x72: {  	_ =	shalt  }
0x73: {  	_ =	shalt  }
0x74: {  	_ =	shalt  }
0x75: {  	_ =	shalt  }
0x76: {  	_ =	shalt  }
0x77: {  	_ =	shalt  }
0x78: {  	_ =	shalt  }
0x79: {  	_ =	shalt  }
0x7a: {  	_ =	shalt  }
0x7b: {  	_ =	shalt  }
0x7c: {  	_ =	shalt  }
0x7d: {  	_ =	shalt  }
0x7e: {  	_ =	shalt  }
0x7f: {  	_ =	shalt  }
0x80: {  	_ =	shalt  }
0x81: {  	_ =	shalt  }
0x82: {  	_ =	shalt  }
0x83: {  	_ =	shalt  }
0x84: {  	_ =	shalt  }
0x85: {  	_ =	shalt  }
0x86: {  	_ =	shalt  }
0x87: {  	_ =	shalt  }
.Lfunc_end0:
.L_simem_size_0:
called_computation_lowered:
.L_overlay_start_0:
0x88: {  	s2 =	sld [smem:$0x3FD9]  }
0x89: {  	s3 =	sld [smem:$0x3FFE];
	_ =	sdelay $0x1  }
0x8a: {  	s1 =	srdreg.scid  }
0x8b: {  	s0 =	sand.u32 $0x1, s1  }
0x8c: {  	s17 =	sshll.u32 s0, $0xA;
	s2 =	sadd.s32 s3, s2  }
0x8d: {  	s2 =	sadd.s32 s2, s17  }
0x8e: {  	[smem:$0x3FC5] =	sst s2  }
0x8f: {  	_ = 	snop  }
0x90: {  	s2 =	sld [smem:$0x3FC9]  }
0x91: {  	s18 =	sld [smem:$0x3FD0];
	(tm) =	ssettm $0x1  }
0x92: {  	s4 =	sld [smem:$0x3FFB];
	_ =	sdelay $0x3  }
0x93: {  	_ =	strace s4  }
0x94: {  	s4 =	sld [smem:$0x3FFC];
	_ =	sdelay $0x3  }
0x95: {  	_ =	strace s4  }
0x96: {  	s4 =	sld [smem:$0x3FFD];
	_ =	sdelay $0x3  }
0x97: {  	_ =	strace s4  }
0x98: {  	_ =	strace $0x8FFFFFFF  }
0x99: {  	s19 =	sld [smem:$0x3FDB];
	_ =	sdelay $0x1  }
0x9a: {  	s5 =	simm.s32 $_scs_section_size  }
0x9b: {  	s6 =	simm.s32 $_size__tile_overlayer_lowered;
	s7 =	simm.s32 $_tile_overlayer_lowered  }
0x9c: {  	s22 =	simm.s32 $0x1BFF;
	s21 =	sshll.u32 s7, $0x1;
	s4 =	sadd.s32 s5, s19  }
0x9d: {  	s8 =	simm.s32 $0x0;
	s20 =	sshll.u32 s6, $0x1;
	s6 =	sadd.s32 s21, s4  }
0x9e: {  	[timem:s8], [sflag:s22] =	dma.local [hbm:s6], s20  }
0x9f: {  	_ =	swait.ge [sflag:s22], s20  }
0xa0: {  	s5 =	ssub.s32 $0x0, s20;
	[sflag:s22] =	ssyncset.done $0x0  }
0xa1: {  	[sflag:s22] =	ssyncadd.s32 s5;
	_ =	sdelay $0x1  }
0xa2: {  	s23 =	simm.s32 $0x1B8B  }
0xa3: {  	_ =	swait.ge [sflag:s23], $0x1  }
0xa4: {  	[sflag:s23] =	ssyncset.done $0x0  }
0xa5: {  	s25 =	simm.s32 $0x1B8E;
	s24 =	sld [smem:$0x3FFE];
	[sflag:s23] =	ssyncadd.s32 $0xFFFFFFFF  }
0xa6: {  	s26 =	simm.s32 $execute0_lowered;
	[smem:$0x3FD2] =	sst s25  }
0xa7: {  	s6 =	sshll.u32 s26, $0x1;
	_ =	strace $0x80000046;
	[dreg:$0x1] =	wrdreg $0xFFFFFFFF  }
0xa8: {  	s28 =	simm.s32 $_size_execute0_lowered;
	s4 =	sadd.s32 s4, s6;
	[dreg:$0x0] =	wrdreg $0x0  }
0xa9: {  	s6 =	sshll.u32 s28, $0x1;
	[dreg:$0x2] =	wrdreg s4  }
0xaa: {  	[dreg:$0x3] =	wrdreg s6  }
0xab: {  	[dreg:$0x4] =	wrdreg $0xC0  }
0xac: {  	_ =	task [dreg:s8], $0x5FFFF  }
0xad: {  	[dreg:$0x1] =	wrdreg $0xFFFFFFFF  }
0xae: {  	[dreg:$0x0] =	wrdreg $0x60  }
0xaf: {  	[dreg:$0x2] =	wrdreg s2  }
0xb0: {  	[dreg:$0x3] =	wrdreg s18  }
0xb1: {  	[dreg:$0x4] =	wrdreg s24  }
0xb2: {  	[dreg:$0x5] =	wrdreg $0x0  }
0xb3: {  	[dreg:$0x6] =	wrdreg $0x9  }
0xb4: {  	_ =	task.clear_ibuf [dreg:s8], $0x7FFFF;
	_ =	strace $0x90000046  }
0xb5: {  	s29 =	simm.s32 $0x9;
	_ =	strace $0x80000048  }
0xb6: {  	_ =	swait.ge [sflag:s29], $0x1  }
0xb7: {  	[sflag:s29] =	ssyncadd.s32 $0xFFFFFFFF  }
0xb8: {  	_ =	strace $0x90000048  }
0xb9: {  	_ =	sfence  }
0xba: {  	s30 =	sld [smem:$0x0];
	_ =	sdelay $0x2  }
0xbb: {  	s31 =	sshll.u32 s1, $0xD;
	s1 =	sshrl.u32 s1, $0x2  }
0xbc: {  	s3 =	sand.u32 $0x4000, s31;
	s1 =	sadd.s32 s1, s30  }
0xbd: {  	s0 =	sor.u32 s3, s0;
	s1 =	sshll.u32 s1, $0x11  }
0xbe: {  	s0 =	sor.u32 s1, s0  }
0xbf: {  	s0 =	sadd.s32 $0x8F2B, s0  }
0xc0: {  	[sflag:s0] =	ssyncadd.remote.s32 $0x1  }
0xc1: {  	_ =	sfence.sel $0xFFFF  }
0xc2: {  	[dreg:$0x0] =	wrdreg $0xFFFFFFFF;
	(pc) =	sbr.abs _section_cstart, $3  }
0xc3: {  	[dreg:$0x1] =	wrdreg $0xFFFFFFFF  }
0xc4: {  	_ =	task.clear_ibuf [dreg:s8], $0x2FFFF;
	_ =	strace $0x9FFFFFFF  }
0xc5: {  	(tm) =	ssettm $0x7FFFFFFF  }
tec
execute0_lowered:
.L_overlay_start_1:
0x0: {  	(tag) =	ssettag $0x1  }
0x1: {  	s1 =	rddreg [dreg:$0x0]  }
0x2: {  	s0 =	rddreg [dreg:$0x1]  }
0x3: {  	s6 =	rddreg [dreg:$0x2]  }
0x4: {  	s2 =	rddreg [dreg:$0x3];
	s4 =	srdreg.scid;
	s3 =	simm.s32 $0x0  }
0x5: {  	s11 =	stileid.u32;
	s18 =	simm.s32 $0x15880;
	s19 =	simm.s32 $0x18080  }
0x6: {  	s20 =	simm.s32 $0x1;
	s21 =	simm.s32 $0x4;
	s22 =	simm.s32 $0x2  }
0x7: {  	s28 =	simm.s32 $0x15800;
	s30 =	simm.s32 $0x0;
	s7 =	sand.u32 $0x1, s4  }
0x8: {  	[smem:$0x7FF] =	sst s3;
	s5 =	sshll.u32 s11, $0xB;
	s13 =	smul.u32 $0x4E000, s11  }
0x9: {  	s26 =	sshll.u32 s11, $0x6;
	s29 =	sshrl.u32 s11, $0x3;
	s15 =	sadd.s32 $0x138000, s2  }
0xa: {  	s17 =	sshll.u32 s11, $0x7;
	p0 =	sne.s32 s11, $0x0;
	s9 =	smul.u32 $0x27100, s7  }
0xb: {  	s4 =	sshll.u32 s7, $0xF;
	_ =	strace $0x80000047;
	s12 =	smul.u32 $0x4F00, s7  }
0xc: {  	s7 =	ssub.s32 $0x2, s7;
	s16 =	smul.u32 $0x13C00, s29;
	s31 =	sand.u32 $0x380, s17  }
0xd: {  	s17 =	simm.s32 $0x50;
	s8 =	sor.u32 s5, s4;
	s4 =	sadd.s32 $0x10E00, s6  }
0xe: {  	s5 =	sadd.s32 $0x13600, s6;
	s24 =	sshrl.u32 s7, $0x1;
	s25 =	sshrl.u32 s13, $0x2  }
0xf: {  	s10 =	sadd.s32 s8, s6;
	s9 =	sadd.s32 s9, s6;
	s12 =	sadd.s32 s12, s6  }
0x10: {  	s14 =	ssub.s32 s7, s24;
	s13 =	sadd.s32 s25, s2;
	s6 =	sor.u32 $0x1C03, s26  }
0x11: {  	s7 =	sadd.s32 s0, s8;
	s25 =	smul.u32 $0x2700, s11;
	s0 =	sor.u32 s31, s16  }
0x12: {  	s16 =	simm.s32 $0x14880;
	s24 =	simm.s32 $0x14800;
	s26 =	simm.s32 $0x15780  }
0x13: {  	s8 =	sadd.s32 $0xE00, s10;
	s9 =	sadd.s32 $0x13C00, s9;
	s23 =	sadd.s32 $0x61E00, s12  }
0x14: {  	s0 =	sshrl.u32 s0, $0x3;
	s10 =	smax.u32 s14, $0x1;
	s11 =	sshrl.u32 s13, $0x3  }
0x15: {  	s12 =	simm.s32 $0x3;
	s13 =	simm.s32 $0x1A880;
	s14 =	sshrl.u32 @!p0 s15, $0x3  }
0x16: {  	v0 =	vimm.f32 $1.000000000e+00;
	s15 =	simm.s32 $0x13880;
	s23 =	sadd.s32 s0, s23;
	s25 =	sadd.s32 s25, s9  }
.LBB2_1:
0x17: {  	[spmem:s11], [sflag:s6] =	dma.local [hbm:s4], $0x2700  }
0x18: {  	_ =	swait.ge [sflag:s12], $0x2700  }
0x19: {  	[sflag:s12] =	ssyncset.done $0x0  }
0x1a: {  	[sflag:s12] =	ssyncadd.s32 $0xFFFFD900  }
0x1b: {  	[tilespmem:s13], [sflag:$0x3] =	stream.linear.gather [hbm4b:s5+s3], $0x2780, $0x38;
	[tilespmem:$0x1D000] =	vst v63  }
0x1c: {  	_ =	swait.ge [sflag:s12], $0x2780  }
0x1d: {  	[sflag:s12] =	ssyncset.done $0x0  }
0x1e: {  	s31 =	simm.s32 @!p0 $0x3;
	[sflag:s12] =	ssyncadd.s32 $0xFFFFD880  }
0x1f: {  	[spmem:s14], [sflag:s6] =	dma.local @!p0 [hbm:s4], $0x100  }
0x20: {  	_ =	swait.ge @!p0 [sflag:s31], $0x100  }
0x21: {  	[sflag:s31] =	ssyncset.done @!p0 $0x0  }
0x22: {  	[sflag:s31] =	ssyncadd.s32 @!p0 $0xFFFFFF00  }
0x23: {  	[bflag:$0x0] =	sbarrier.arrive $0xFFFF  }
0x24: {  	[tilespmem:s15], [sflag:$0x3] =	stream.linear.gather [hbm4b:s7+s3], $0x1000, $0x38;
	[tilespmem:$0x1D000] =	vst v63  }
0x25: {  	_ =	swait.ge [sflag:s12], $0x1000  }
0x26: {  	[sflag:s12] =	ssyncset.done $0x0  }
0x27: {  	[sflag:s12] =	ssyncadd.s32 $0xFFFFF000  }
0x28: {  	[tilespmem:s16], [sflag:$0x3] =	stream.linear.gather [hbm4b:s8+s3], $0x1000, $0x38;
	[tilespmem:$0x1D000] =	vst v63  }
0x29: {  	_ =	swait.ge [sflag:s12], $0x1000  }
0x2a: {  	[sflag:s12] =	ssyncset.done $0x0  }
0x2b: {  	s31 =	simm.s32 $0x0;
	[sflag:s12] =	ssyncadd.s32 $0xFFFFF000  }
0x2c: {  	[tilespmem:s18], [sflag:$0x1] =	stream.indirect.gather [hbm4b:s1+s17], $0x80, s15, s17, $0xb8;
	[tilespmem:$0x1D000] =	vst v63  }
.LBB2_2:
0x2d: {  	s0 =	sshra.s32 s31, $0x2  }
0x2e: {  	s29 =	sadd.s32 $0x13900, s0  }
0x2f: {  	[tilespmem:s19], [sflag:$0x2] =	stream.indirect.gather [hbm4b:s1+s17], $0x80, s29, s17, $0xb8;
	[tilespmem:$0x1D000] =	vst v63  }
0x30: {  	v1 =	vld [tilespmem:s0+$0x14880];
	_ =	sdelay $0x7  }
0x31: {  	[tilespmem:v1+s13+$0x0] =	vst.idx.add.f32.msk $0xffff, v0  }
0x32: {  	v1 =	vld [tilespmem:s0+$0x14890];
	_ =	sdelay $0x7  }
0x33: {  	[tilespmem:v1+s13+$0x0] =	vst.idx.add.f32.msk $0xffff, v0  }
0x34: {  	v1 =	vld [tilespmem:s0+$0x148A0];
	_ =	sdelay $0x7  }
0x35: {  	[tilespmem:v1+s13+$0x0] =	vst.idx.add.f32.msk $0xffff, v0  }
0x36: {  	v1 =	vld [tilespmem:s0+$0x148B0];
	_ =	sdelay $0x7  }
0x37: {  	[tilespmem:v1+s13+$0x0] =	vst.idx.add.f32.msk $0xffff, v0  }
0x38: {  	v1 =	vld [tilespmem:s0+$0x148C0];
	_ =	sdelay $0x7  }
0x39: {  	[tilespmem:v1+s13+$0x0] =	vst.idx.add.f32.msk $0xffff, v0  }
0x3a: {  	_ =	swait.ge [sflag:s20], $0x2800  }
0x3b: {  	[sflag:s20] =	ssyncset.done $0x0  }
0x3c: {  	s29 =	sadd.s32 $0x14880, s0;
	[sflag:s20] =	ssyncadd.s32 $0xFFFFD800  }
0x3d: {  	[spmem:s2] =	stream.indirect.scatter.add.f32 [tilespmem:s18], [sflag:$0x4], $0x80, s29, s17, $0xb8;
	[tilespmem:$0x1D000] =	vst v63  }
0x3e: {  	_ =	swait.ge [sflag:s21], $0x2800  }
0x3f: {  	[sflag:s21] =	ssyncset.done $0x0  }
0x40: {  	s29 =	sadd.s32 $0x13980, s0;
	[sflag:s21] =	ssyncadd.s32 $0xFFFFD800  }
0x41: {  	[tilespmem:s18], [sflag:$0x1] =	stream.indirect.gather [hbm4b:s1+s17], $0x80, s29, s17, $0xb8;
	[tilespmem:$0x1D000] =	vst v63  }
0x42: {  	v1 =	vld [tilespmem:s0+$0x14900];
	_ =	sdelay $0x7  }
0x43: {  	[tilespmem:v1+s13+$0x0] =	vst.idx.add.f32.msk $0xffff, v0  }
0x44: {  	v1 =	vld [tilespmem:s0+$0x14910];
	_ =	sdelay $0x7  }
0x45: {  	[tilespmem:v1+s13+$0x0] =	vst.idx.add.f32.msk $0xffff, v0  }
0x46: {  	v1 =	vld [tilespmem:s0+$0x14920];
	_ =	sdelay $0x7  }
0x47: {  	[tilespmem:v1+s13+$0x0] =	vst.idx.add.f32.msk $0xffff, v0  }
0x48: {  	v1 =	vld [tilespmem:s0+$0x14930];
	_ =	sdelay $0x7  }
0x49: {  	[tilespmem:v1+s13+$0x0] =	vst.idx.add.f32.msk $0xffff, v0  }
0x4a: {  	v1 =	vld [tilespmem:s0+$0x14940];
	_ =	sdelay $0x7  }
0x4b: {  	[tilespmem:v1+s13+$0x0] =	vst.idx.add.f32.msk $0xffff, v0  }
0x4c: {  	_ =	swait.ge [sflag:s22], $0x2800  }
0x4d: {  	p1 =	sne.s32 s31, $0x3800;
	[sflag:s22] =	ssyncset.done $0x0  }
.Ltmp0:
0x4e: {  	s0 =	sadd.s32 $0x14900, s0;
	[sflag:s22] =	ssyncadd.s32 $0xFFFFD800;
	(pc) =	sbr.rel @p1 .LBB2_2-.Ltmp0, $4  }
0x4f: {  	[spmem:s2] =	stream.indirect.scatter.add.f32 [tilespmem:s19], [sflag:$0x3], $0x80, s0, s17, $0xb8;
	[tilespmem:$0x1D000] =	vst v63  }
0x50: {  	_ =	swait.ge [sflag:s12], $0x2800  }
0x51: {  	[sflag:s12] =	ssyncset.done $0x0  }
0x52: {  	s31 =	sadd.s32 $0x400, s31;
	[sflag:s12] =	ssyncadd.s32 $0xFFFFD800  }
0x53: {  	[tilespmem:s19], [sflag:$0x2] =	stream.indirect.gather [hbm4b:s1+s17], $0x80, s24, s17, $0xb8;
	[tilespmem:$0x1D000] =	vst v63  }
0x54: {  	v1 =	vld [tilespmem:$0x15780];
	_ =	sdelay $0x7  }
0x55: {  	[tilespmem:v1+s13+$0x0] =	vst.idx.add.f32.msk $0xffff, v0  }
0x56: {  	v1 =	vld [tilespmem:$0x15790];
	_ =	sdelay $0x7  }
0x57: {  	[tilespmem:v1+s13+$0x0] =	vst.idx.add.f32.msk $0xffff, v0  }
0x58: {  	v1 =	vld [tilespmem:$0x157A0];
	_ =	sdelay $0x7  }
0x59: {  	[tilespmem:v1+s13+$0x0] =	vst.idx.add.f32.msk $0xffff, v0  }
0x5a: {  	v1 =	vld [tilespmem:$0x157B0];
	_ =	sdelay $0x7  }
0x5b: {  	[tilespmem:v1+s13+$0x0] =	vst.idx.add.f32.msk $0xffff, v0  }
0x5c: {  	v1 =	vld [tilespmem:$0x157C0];
	_ =	sdelay $0x7  }
0x5d: {  	[tilespmem:v1+s13+$0x0] =	vst.idx.add.f32.msk $0xffff, v0  }
0x5e: {  	_ =	swait.ge [sflag:s20], $0x2800  }
0x5f: {  	[sflag:s20] =	ssyncset.done $0x0  }
0x60: {  	[sflag:s20] =	ssyncadd.s32 $0xFFFFD800  }
0x61: {  	[spmem:s2] =	stream.indirect.scatter.add.f32 [tilespmem:s18], [sflag:$0x4], $0x80, s26, s17, $0xb8;
	[tilespmem:$0x1D000] =	vst v63  }
0x62: {  	_ =	swait.ge [sflag:s21], $0x2800  }
0x63: {  	[sflag:s21] =	ssyncset.done $0x0  }
0x64: {  	[sflag:s21] =	ssyncadd.s32 $0xFFFFD800  }
0x65: {  	v1 =	vld [tilespmem:$0x15800];
	_ =	sdelay $0x7  }
0x66: {  	[tilespmem:v1+s13+$0x0] =	vst.idx.add.f32.msk $0xffff, v0  }
0x67: {  	v1 =	vld [tilespmem:$0x15810];
	_ =	sdelay $0x7  }
0x68: {  	[tilespmem:v1+s13+$0x0] =	vst.idx.add.f32.msk $0xffff, v0  }
0x69: {  	v1 =	vld [tilespmem:$0x15820];
	_ =	sdelay $0x7  }
0x6a: {  	[tilespmem:v1+s13+$0x0] =	vst.idx.add.f32.msk $0xffff, v0  }
0x6b: {  	v1 =	vld [tilespmem:$0x15830];
	_ =	sdelay $0x7  }
0x6c: {  	[tilespmem:v1+s13+$0x0] =	vst.idx.add.f32.msk $0xffff, v0  }
0x6d: {  	v1 =	vld [tilespmem:$0x15840];
	_ =	sdelay $0x7  }
0x6e: {  	[tilespmem:v1+s13+$0x0] =	vst.idx.add.f32.msk $0xffff, v0  }
0x6f: {  	_ =	swait.ge [sflag:s22], $0x2800  }
0x70: {  	[sflag:s22] =	ssyncset.done $0x0  }
0x71: {  	[sflag:s22] =	ssyncadd.s32 $0xFFFFD800  }
0x72: {  	[spmem:s2] =	stream.indirect.scatter.add.f32 [tilespmem:s19], [sflag:$0x3], $0x80, s28, s17, $0xb8;
	[tilespmem:$0x1D000] =	vst v63  }
0x73: {  	_ =	swait.ge [sflag:s12], $0x2800  }
0x74: {  	[sflag:s12] =	ssyncset.done $0x0  }
0x75: {  	s0 =	sadd.s32 $0x200, s7;
	s31 =	simm.s32 $0x0;
	[sflag:s12] =	ssyncadd.s32 $0xFFFFD800  }
0x76: {  	[tilespmem:s15], [sflag:$0x3] =	stream.linear.gather [hbm4b:s0+s31], $0x1000, $0x38;
	[tilespmem:$0x1D000] =	vst v63  }
0x77: {  	_ =	swait.ge [sflag:s12], $0x1000  }
0x78: {  	[sflag:s12] =	ssyncset.done $0x0  }
0x79: {  	s29 =	sadd.s32 $0x200, s8;
	[sflag:s12] =	ssyncadd.s32 $0xFFFFF000  }
0x7a: {  	[tilespmem:s16], [sflag:$0x3] =	stream.linear.gather [hbm4b:s29+s31], $0x1000, $0x38;
	[tilespmem:$0x1D000] =	vst v63  }
0x7b: {  	_ =	swait.ge [sflag:s12], $0x1000  }
0x7c: {  	[sflag:s12] =	ssyncset.done $0x0  }
0x7d: {  	[sflag:s12] =	ssyncadd.s32 $0xFFFFF000  }
0x7e: {  	[tilespmem:s18], [sflag:$0x1] =	stream.indirect.gather [hbm4b:s1+s17], $0x80, s15, s17, $0xb8;
	[tilespmem:$0x1D000] =	vst v63  }
.LBB2_4:
0x7f: {  	s0 =	sshra.s32 s31, $0x2  }
0x80: {  	s29 =	sadd.s32 $0x13900, s0  }
0x81: {  	[tilespmem:s19], [sflag:$0x2] =	stream.indirect.gather [hbm4b:s1+s17], $0x80, s29, s17, $0xb8;
	[tilespmem:$0x1D000] =	vst v63  }
0x82: {  	v1 =	vld [tilespmem:s0+$0x14880];
	_ =	sdelay $0x7  }
0x83: {  	[tilespmem:v1+s13+$0x0] =	vst.idx.add.f32.msk $0xffff, v0  }
0x84: {  	v1 =	vld [tilespmem:s0+$0x14890];
	_ =	sdelay $0x7  }
0x85: {  	[tilespmem:v1+s13+$0x0] =	vst.idx.add.f32.msk $0xffff, v0  }
0x86: {  	v1 =	vld [tilespmem:s0+$0x148A0];
	_ =	sdelay $0x7  }
0x87: {  	[tilespmem:v1+s13+$0x0] =	vst.idx.add.f32.msk $0xffff, v0  }
0x88: {  	v1 =	vld [tilespmem:s0+$0x148B0];
	_ =	sdelay $0x7  }
0x89: {  	[tilespmem:v1+s13+$0x0] =	vst.idx.add.f32.msk $0xffff, v0  }
0x8a: {  	v1 =	vld [tilespmem:s0+$0x148C0];
	_ =	sdelay $0x7  }
0x8b: {  	[tilespmem:v1+s13+$0x0] =	vst.idx.add.f32.msk $0xffff, v0  }
0x8c: {  	_ =	swait.ge [sflag:s20], $0x2800  }
0x8d: {  	[sflag:s20] =	ssyncset.done $0x0  }
0x8e: {  	s29 =	sadd.s32 $0x14880, s0;
	[sflag:s20] =	ssyncadd.s32 $0xFFFFD800  }
0x8f: {  	[spmem:s2] =	stream.indirect.scatter.add.f32 [tilespmem:s18], [sflag:$0x4], $0x80, s29, s17, $0xb8;
	[tilespmem:$0x1D000] =	vst v63  }
0x90: {  	_ =	swait.ge [sflag:s21], $0x2800  }
0x91: {  	[sflag:s21] =	ssyncset.done $0x0  }
0x92: {  	s29 =	sadd.s32 $0x13980, s0;
	[sflag:s21] =	ssyncadd.s32 $0xFFFFD800  }
0x93: {  	[tilespmem:s18], [sflag:$0x1] =	stream.indirect.gather [hbm4b:s1+s17], $0x80, s29, s17, $0xb8;
	[tilespmem:$0x1D000] =	vst v63  }
0x94: {  	v1 =	vld [tilespmem:s0+$0x14900];
	_ =	sdelay $0x7  }
0x95: {  	[tilespmem:v1+s13+$0x0] =	vst.idx.add.f32.msk $0xffff, v0  }
0x96: {  	v1 =	vld [tilespmem:s0+$0x14910];
	_ =	sdelay $0x7  }
0x97: {  	[tilespmem:v1+s13+$0x0] =	vst.idx.add.f32.msk $0xffff, v0  }
0x98: {  	v1 =	vld [tilespmem:s0+$0x14920];
	_ =	sdelay $0x7  }
0x99: {  	[tilespmem:v1+s13+$0x0] =	vst.idx.add.f32.msk $0xffff, v0  }
0x9a: {  	v1 =	vld [tilespmem:s0+$0x14930];
	_ =	sdelay $0x7  }
0x9b: {  	[tilespmem:v1+s13+$0x0] =	vst.idx.add.f32.msk $0xffff, v0  }
0x9c: {  	v1 =	vld [tilespmem:s0+$0x14940];
	_ =	sdelay $0x7  }
0x9d: {  	[tilespmem:v1+s13+$0x0] =	vst.idx.add.f32.msk $0xffff, v0  }
0x9e: {  	_ =	swait.ge [sflag:s22], $0x2800  }
0x9f: {  	p1 =	sne.s32 s31, $0x3800;
	[sflag:s22] =	ssyncset.done $0x0  }
.Ltmp1:
0xa0: {  	s0 =	sadd.s32 $0x14900, s0;
	[sflag:s22] =	ssyncadd.s32 $0xFFFFD800;
	(pc) =	sbr.rel @p1 .LBB2_4-.Ltmp1, $4  }
0xa1: {  	[spmem:s2] =	stream.indirect.scatter.add.f32 [tilespmem:s19], [sflag:$0x3], $0x80, s0, s17, $0xb8;
	[tilespmem:$0x1D000] =	vst v63  }
0xa2: {  	_ =	swait.ge [sflag:s12], $0x2800  }
0xa3: {  	[sflag:s12] =	ssyncset.done $0x0  }
0xa4: {  	s31 =	sadd.s32 $0x400, s31;
	[sflag:s12] =	ssyncadd.s32 $0xFFFFD800  }
0xa5: {  	[tilespmem:s19], [sflag:$0x2] =	stream.indirect.gather [hbm4b:s1+s17], $0x80, s24, s17, $0xb8;
	[tilespmem:$0x1D000] =	vst v63  }
0xa6: {  	v1 =	vld [tilespmem:$0x15780];
	_ =	sdelay $0x7  }
0xa7: {  	[tilespmem:v1+s13+$0x0] =	vst.idx.add.f32.msk $0xffff, v0  }
0xa8: {  	v1 =	vld [tilespmem:$0x15790];
	_ =	sdelay $0x7  }
0xa9: {  	[tilespmem:v1+s13+$0x0] =	vst.idx.add.f32.msk $0xffff, v0  }
0xaa: {  	v1 =	vld [tilespmem:$0x157A0];
	_ =	sdelay $0x7  }
0xab: {  	[tilespmem:v1+s13+$0x0] =	vst.idx.add.f32.msk $0xffff, v0  }
0xac: {  	v1 =	vld [tilespmem:$0x157B0];
	_ =	sdelay $0x7  }
0xad: {  	[tilespmem:v1+s13+$0x0] =	vst.idx.add.f32.msk $0xffff, v0  }
0xae: {  	v1 =	vld [tilespmem:$0x157C0];
	_ =	sdelay $0x7  }
0xaf: {  	[tilespmem:v1+s13+$0x0] =	vst.idx.add.f32.msk $0xffff, v0  }
0xb0: {  	_ =	swait.ge [sflag:s20], $0x2800  }
0xb1: {  	[sflag:s20] =	ssyncset.done $0x0  }
0xb2: {  	[sflag:s20] =	ssyncadd.s32 $0xFFFFD800  }
0xb3: {  	[spmem:s2] =	stream.indirect.scatter.add.f32 [tilespmem:s18], [sflag:$0x4], $0x80, s26, s17, $0xb8;
	[tilespmem:$0x1D000] =	vst v63  }
0xb4: {  	_ =	swait.ge [sflag:s21], $0x2800  }
0xb5: {  	[sflag:s21] =	ssyncset.done $0x0  }
0xb6: {  	[sflag:s21] =	ssyncadd.s32 $0xFFFFD800  }
0xb7: {  	v1 =	vld [tilespmem:$0x15800];
	_ =	sdelay $0x7  }
0xb8: {  	[tilespmem:v1+s13+$0x0] =	vst.idx.add.f32.msk $0xffff, v0  }
0xb9: {  	v1 =	vld [tilespmem:$0x15810];
	_ =	sdelay $0x7  }
0xba: {  	[tilespmem:v1+s13+$0x0] =	vst.idx.add.f32.msk $0xffff, v0  }
0xbb: {  	v1 =	vld [tilespmem:$0x15820];
	_ =	sdelay $0x7  }
0xbc: {  	[tilespmem:v1+s13+$0x0] =	vst.idx.add.f32.msk $0xffff, v0  }
0xbd: {  	v1 =	vld [tilespmem:$0x15830];
	_ =	sdelay $0x7  }
0xbe: {  	[tilespmem:v1+s13+$0x0] =	vst.idx.add.f32.msk $0xffff, v0  }
0xbf: {  	v1 =	vld [tilespmem:$0x15840];
	_ =	sdelay $0x7  }
0xc0: {  	[tilespmem:v1+s13+$0x0] =	vst.idx.add.f32.msk $0xffff, v0  }
0xc1: {  	_ =	swait.ge [sflag:s22], $0x2800  }
0xc2: {  	[sflag:s22] =	ssyncset.done $0x0  }
0xc3: {  	[sflag:s22] =	ssyncadd.s32 $0xFFFFD800  }
0xc4: {  	[spmem:s2] =	stream.indirect.scatter.add.f32 [tilespmem:s19], [sflag:$0x3], $0x80, s28, s17, $0xb8;
	[tilespmem:$0x1D000] =	vst v63  }
0xc5: {  	_ =	swait.ge [sflag:s12], $0x2800  }
0xc6: {  	[sflag:s12] =	ssyncset.done $0x0  }
0xc7: {  	s0 =	sadd.s32 $0x400, s7;
	s31 =	simm.s32 $0x0;
	[sflag:s12] =	ssyncadd.s32 $0xFFFFD800  }
0xc8: {  	[tilespmem:s15], [sflag:$0x3] =	stream.linear.gather [hbm4b:s0+s31], $0x1000, $0x38;
	[tilespmem:$0x1D000] =	vst v63  }
0xc9: {  	_ =	swait.ge [sflag:s12], $0x1000  }
0xca: {  	[sflag:s12] =	ssyncset.done $0x0  }
0xcb: {  	s29 =	sadd.s32 $0x400, s8;
	[sflag:s12] =	ssyncadd.s32 $0xFFFFF000  }
0xcc: {  	[tilespmem:s16], [sflag:$0x3] =	stream.linear.gather [hbm4b:s29+s31], $0x1000, $0x38;
	[tilespmem:$0x1D000] =	vst v63  }
0xcd: {  	_ =	swait.ge [sflag:s12], $0x1000  }
0xce: {  	[sflag:s12] =	ssyncset.done $0x0  }
0xcf: {  	[sflag:s12] =	ssyncadd.s32 $0xFFFFF000  }
0xd0: {  	[tilespmem:s18], [sflag:$0x1] =	stream.indirect.gather [hbm4b:s1+s17], $0x80, s15, s17, $0xb8;
	[tilespmem:$0x1D000] =	vst v63  }
.LBB2_6:
0xd1: {  	s0 =	sshra.s32 s31, $0x2  }
0xd2: {  	s29 =	sadd.s32 $0x13900, s0  }
0xd3: {  	[tilespmem:s19], [sflag:$0x2] =	stream.indirect.gather [hbm4b:s1+s17], $0x80, s29, s17, $0xb8;
	[tilespmem:$0x1D000] =	vst v63  }
0xd4: {  	v1 =	vld [tilespmem:s0+$0x14880];
	_ =	sdelay $0x7  }
0xd5: {  	[tilespmem:v1+s13+$0x0] =	vst.idx.add.f32.msk $0xffff, v0  }
0xd6: {  	v1 =	vld [tilespmem:s0+$0x14890];
	_ =	sdelay $0x7  }
0xd7: {  	[tilespmem:v1+s13+$0x0] =	vst.idx.add.f32.msk $0xffff, v0  }
0xd8: {  	v1 =	vld [tilespmem:s0+$0x148A0];
	_ =	sdelay $0x7  }
0xd9: {  	[tilespmem:v1+s13+$0x0] =	vst.idx.add.f32.msk $0xffff, v0  }
0xda: {  	v1 =	vld [tilespmem:s0+$0x148B0];
	_ =	sdelay $0x7  }
0xdb: {  	[tilespmem:v1+s13+$0x0] =	vst.idx.add.f32.msk $0xffff, v0  }
0xdc: {  	v1 =	vld [tilespmem:s0+$0x148C0];
	_ =	sdelay $0x7  }
0xdd: {  	[tilespmem:v1+s13+$0x0] =	vst.idx.add.f32.msk $0xffff, v0  }
0xde: {  	_ =	swait.ge [sflag:s20], $0x2800  }
0xdf: {  	[sflag:s20] =	ssyncset.done $0x0  }
0xe0: {  	s29 =	sadd.s32 $0x14880, s0;
	[sflag:s20] =	ssyncadd.s32 $0xFFFFD800  }
0xe1: {  	[spmem:s2] =	stream.indirect.scatter.add.f32 [tilespmem:s18], [sflag:$0x4], $0x80, s29, s17, $0xb8;
	[tilespmem:$0x1D000] =	vst v63  }
0xe2: {  	_ =	swait.ge [sflag:s21], $0x2800  }
0xe3: {  	[sflag:s21] =	ssyncset.done $0x0  }
0xe4: {  	s29 =	sadd.s32 $0x13980, s0;
	[sflag:s21] =	ssyncadd.s32 $0xFFFFD800  }
0xe5: {  	[tilespmem:s18], [sflag:$0x1] =	stream.indirect.gather [hbm4b:s1+s17], $0x80, s29, s17, $0xb8;
	[tilespmem:$0x1D000] =	vst v63  }
0xe6: {  	v1 =	vld [tilespmem:s0+$0x14900];
	_ =	sdelay $0x7  }
0xe7: {  	[tilespmem:v1+s13+$0x0] =	vst.idx.add.f32.msk $0xffff, v0  }
0xe8: {  	v1 =	vld [tilespmem:s0+$0x14910];
	_ =	sdelay $0x7  }
0xe9: {  	[tilespmem:v1+s13+$0x0] =	vst.idx.add.f32.msk $0xffff, v0  }
0xea: {  	v1 =	vld [tilespmem:s0+$0x14920];
	_ =	sdelay $0x7  }
0xeb: {  	[tilespmem:v1+s13+$0x0] =	vst.idx.add.f32.msk $0xffff, v0  }
0xec: {  	v1 =	vld [tilespmem:s0+$0x14930];
	_ =	sdelay $0x7  }
0xed: {  	[tilespmem:v1+s13+$0x0] =	vst.idx.add.f32.msk $0xffff, v0  }
0xee: {  	v1 =	vld [tilespmem:s0+$0x14940];
	_ =	sdelay $0x7  }
0xef: {  	[tilespmem:v1+s13+$0x0] =	vst.idx.add.f32.msk $0xffff, v0  }
0xf0: {  	_ =	swait.ge [sflag:s22], $0x2800  }
0xf1: {  	p1 =	sne.s32 s31, $0x3800;
	[sflag:s22] =	ssyncset.done $0x0  }
.Ltmp2:
0xf2: {  	s0 =	sadd.s32 $0x14900, s0;
	[sflag:s22] =	ssyncadd.s32 $0xFFFFD800;
	(pc) =	sbr.rel @p1 .LBB2_6-.Ltmp2, $4  }
0xf3: {  	[spmem:s2] =	stream.indirect.scatter.add.f32 [tilespmem:s19], [sflag:$0x3], $0x80, s0, s17, $0xb8;
	[tilespmem:$0x1D000] =	vst v63  }
0xf4: {  	_ =	swait.ge [sflag:s12], $0x2800  }
0xf5: {  	[sflag:s12] =	ssyncset.done $0x0  }
0xf6: {  	s31 =	sadd.s32 $0x400, s31;
	[sflag:s12] =	ssyncadd.s32 $0xFFFFD800  }
0xf7: {  	[tilespmem:s19], [sflag:$0x2] =	stream.indirect.gather [hbm4b:s1+s17], $0x80, s24, s17, $0xb8;
	[tilespmem:$0x1D000] =	vst v63  }
0xf8: {  	v1 =	vld [tilespmem:$0x15780];
	_ =	sdelay $0x7  }
0xf9: {  	[tilespmem:v1+s13+$0x0] =	vst.idx.add.f32.msk $0xffff, v0  }
0xfa: {  	v1 =	vld [tilespmem:$0x15790];
	_ =	sdelay $0x7  }
0xfb: {  	[tilespmem:v1+s13+$0x0] =	vst.idx.add.f32.msk $0xffff, v0  }
0xfc: {  	v1 =	vld [tilespmem:$0x157A0];
	_ =	sdelay $0x7  }
0xfd: {  	[tilespmem:v1+s13+$0x0] =	vst.idx.add.f32.msk $0xffff, v0  }
0xfe: {  	v1 =	vld [tilespmem:$0x157B0];
	_ =	sdelay $0x7  }
0xff: {  	[tilespmem:v1+s13+$0x0] =	vst.idx.add.f32.msk $0xffff, v0  }
0x100: {  	v1 =	vld [tilespmem:$0x157C0];
	_ =	sdelay $0x7  }
0x101: {  	[tilespmem:v1+s13+$0x0] =	vst.idx.add.f32.msk $0xffff, v0  }
0x102: {  	_ =	swait.ge [sflag:s20], $0x2800  }
0x103: {  	[sflag:s20] =	ssyncset.done $0x0  }
0x104: {  	[sflag:s20] =	ssyncadd.s32 $0xFFFFD800  }
0x105: {  	[spmem:s2] =	stream.indirect.scatter.add.f32 [tilespmem:s18], [sflag:$0x4], $0x80, s26, s17, $0xb8;
	[tilespmem:$0x1D000] =	vst v63  }
0x106: {  	_ =	swait.ge [sflag:s21], $0x2800  }
0x107: {  	[sflag:s21] =	ssyncset.done $0x0  }
0x108: {  	[sflag:s21] =	ssyncadd.s32 $0xFFFFD800  }
0x109: {  	v1 =	vld [tilespmem:$0x15800];
	_ =	sdelay $0x7  }
0x10a: {  	[tilespmem:v1+s13+$0x0] =	vst.idx.add.f32.msk $0xffff, v0  }
0x10b: {  	v1 =	vld [tilespmem:$0x15810];
	_ =	sdelay $0x7  }
0x10c: {  	[tilespmem:v1+s13+$0x0] =	vst.idx.add.f32.msk $0xffff, v0  }
0x10d: {  	v1 =	vld [tilespmem:$0x15820];
	_ =	sdelay $0x7  }
0x10e: {  	[tilespmem:v1+s13+$0x0] =	vst.idx.add.f32.msk $0xffff, v0  }
0x10f: {  	v1 =	vld [tilespmem:$0x15830];
	_ =	sdelay $0x7  }
0x110: {  	[tilespmem:v1+s13+$0x0] =	vst.idx.add.f32.msk $0xffff, v0  }
0x111: {  	v1 =	vld [tilespmem:$0x15840];
	_ =	sdelay $0x7  }
0x112: {  	[tilespmem:v1+s13+$0x0] =	vst.idx.add.f32.msk $0xffff, v0  }
0x113: {  	_ =	swait.ge [sflag:s22], $0x2800  }
0x114: {  	[sflag:s22] =	ssyncset.done $0x0  }
0x115: {  	[sflag:s22] =	ssyncadd.s32 $0xFFFFD800  }
0x116: {  	[spmem:s2] =	stream.indirect.scatter.add.f32 [tilespmem:s19], [sflag:$0x3], $0x80, s28, s17, $0xb8;
	[tilespmem:$0x1D000] =	vst v63  }
0x117: {  	_ =	swait.ge [sflag:s12], $0x2800  }
0x118: {  	[sflag:s12] =	ssyncset.done $0x0  }
0x119: {  	s0 =	sadd.s32 $0x600, s7;
	s31 =	simm.s32 $0x0;
	[sflag:s12] =	ssyncadd.s32 $0xFFFFD800  }
0x11a: {  	[tilespmem:s15], [sflag:$0x3] =	stream.linear.gather [hbm4b:s0+s31], $0x1000, $0x38;
	[tilespmem:$0x1D000] =	vst v63  }
0x11b: {  	_ =	swait.ge [sflag:s12], $0x1000  }
0x11c: {  	[sflag:s12] =	ssyncset.done $0x0  }
0x11d: {  	s29 =	sadd.s32 $0x600, s8;
	[sflag:s12] =	ssyncadd.s32 $0xFFFFF000  }
0x11e: {  	[tilespmem:s16], [sflag:$0x3] =	stream.linear.gather [hbm4b:s29+s31], $0x1000, $0x38;
	[tilespmem:$0x1D000] =	vst v63  }
0x11f: {  	_ =	swait.ge [sflag:s12], $0x1000  }
0x120: {  	[sflag:s12] =	ssyncset.done $0x0  }
0x121: {  	[sflag:s12] =	ssyncadd.s32 $0xFFFFF000  }
0x122: {  	[tilespmem:s18], [sflag:$0x1] =	stream.indirect.gather [hbm4b:s1+s17], $0x80, s15, s17, $0xb8;
	[tilespmem:$0x1D000] =	vst v63  }
.LBB2_8:
0x123: {  	s0 =	sshra.s32 s31, $0x2  }
0x124: {  	s29 =	sadd.s32 $0x13900, s0  }
0x125: {  	[tilespmem:s19], [sflag:$0x2] =	stream.indirect.gather [hbm4b:s1+s17], $0x80, s29, s17, $0xb8;
	[tilespmem:$0x1D000] =	vst v63  }
0x126: {  	v1 =	vld [tilespmem:s0+$0x14880];
	_ =	sdelay $0x7  }
0x127: {  	[tilespmem:v1+s13+$0x0] =	vst.idx.add.f32.msk $0xffff, v0  }
0x128: {  	v1 =	vld [tilespmem:s0+$0x14890];
	_ =	sdelay $0x7  }
0x129: {  	[tilespmem:v1+s13+$0x0] =	vst.idx.add.f32.msk $0xffff, v0  }
0x12a: {  	v1 =	vld [tilespmem:s0+$0x148A0];
	_ =	sdelay $0x7  }
0x12b: {  	[tilespmem:v1+s13+$0x0] =	vst.idx.add.f32.msk $0xffff, v0  }
0x12c: {  	v1 =	vld [tilespmem:s0+$0x148B0];
	_ =	sdelay $0x7  }
0x12d: {  	[tilespmem:v1+s13+$0x0] =	vst.idx.add.f32.msk $0xffff, v0  }
0x12e: {  	v1 =	vld [tilespmem:s0+$0x148C0];
	_ =	sdelay $0x7  }
0x12f: {  	[tilespmem:v1+s13+$0x0] =	vst.idx.add.f32.msk $0xffff, v0  }
0x130: {  	_ =	swait.ge [sflag:s20], $0x2800  }
0x131: {  	[sflag:s20] =	ssyncset.done $0x0  }
0x132: {  	s29 =	sadd.s32 $0x14880, s0;
	[sflag:s20] =	ssyncadd.s32 $0xFFFFD800  }
0x133: {  	[spmem:s2] =	stream.indirect.scatter.add.f32 [tilespmem:s18], [sflag:$0x4], $0x80, s29, s17, $0xb8;
	[tilespmem:$0x1D000] =	vst v63  }
0x134: {  	_ =	swait.ge [sflag:s21], $0x2800  }
0x135: {  	[sflag:s21] =	ssyncset.done $0x0  }
0x136: {  	s29 =	sadd.s32 $0x13980, s0;
	[sflag:s21] =	ssyncadd.s32 $0xFFFFD800  }
0x137: {  	[tilespmem:s18], [sflag:$0x1] =	stream.indirect.gather [hbm4b:s1+s17], $0x80, s29, s17, $0xb8;
	[tilespmem:$0x1D000] =	vst v63  }
0x138: {  	v1 =	vld [tilespmem:s0+$0x14900];
	_ =	sdelay $0x7  }
0x139: {  	[tilespmem:v1+s13+$0x0] =	vst.idx.add.f32.msk $0xffff, v0  }
0x13a: {  	v1 =	vld [tilespmem:s0+$0x14910];
	_ =	sdelay $0x7  }
0x13b: {  	[tilespmem:v1+s13+$0x0] =	vst.idx.add.f32.msk $0xffff, v0  }
0x13c: {  	v1 =	vld [tilespmem:s0+$0x14920];
	_ =	sdelay $0x7  }
0x13d: {  	[tilespmem:v1+s13+$0x0] =	vst.idx.add.f32.msk $0xffff, v0  }
0x13e: {  	v1 =	vld [tilespmem:s0+$0x14930];
	_ =	sdelay $0x7  }
0x13f: {  	[tilespmem:v1+s13+$0x0] =	vst.idx.add.f32.msk $0xffff, v0  }
0x140: {  	v1 =	vld [tilespmem:s0+$0x14940];
	_ =	sdelay $0x7  }
0x141: {  	[tilespmem:v1+s13+$0x0] =	vst.idx.add.f32.msk $0xffff, v0  }
0x142: {  	_ =	swait.ge [sflag:s22], $0x2800  }
0x143: {  	p1 =	sne.s32 s31, $0x3400;
	[sflag:s22] =	ssyncset.done $0x0  }
.Ltmp3:
0x144: {  	s0 =	sadd.s32 $0x14900, s0;
	[sflag:s22] =	ssyncadd.s32 $0xFFFFD800;
	(pc) =	sbr.rel @p1 .LBB2_8-.Ltmp3, $4  }
0x145: {  	[spmem:s2] =	stream.indirect.scatter.add.f32 [tilespmem:s19], [sflag:$0x3], $0x80, s0, s17, $0xb8;
	[tilespmem:$0x1D000] =	vst v63  }
0x146: {  	_ =	swait.ge [sflag:s12], $0x2800  }
0x147: {  	[sflag:s12] =	ssyncset.done $0x0  }
0x148: {  	s31 =	sadd.s32 $0x400, s31;
	[sflag:s12] =	ssyncadd.s32 $0xFFFFD800  }
0x149: {  	s0 =	simm.s32 $0x14700  }
0x14a: {  	[tilespmem:s19], [sflag:$0x2] =	stream.indirect.gather [hbm4b:s1+s17], $0x80, s0, s17, $0xb8;
	[tilespmem:$0x1D000] =	vst v63  }
0x14b: {  	v1 =	vld [tilespmem:$0x15680];
	_ =	sdelay $0x7  }
0x14c: {  	[tilespmem:v1+s13+$0x0] =	vst.idx.add.f32.msk $0xffff, v0  }
0x14d: {  	v1 =	vld [tilespmem:$0x15690];
	_ =	sdelay $0x7  }
0x14e: {  	[tilespmem:v1+s13+$0x0] =	vst.idx.add.f32.msk $0xffff, v0  }
0x14f: {  	v1 =	vld [tilespmem:$0x156A0];
	_ =	sdelay $0x7  }
0x150: {  	[tilespmem:v1+s13+$0x0] =	vst.idx.add.f32.msk $0xffff, v0  }
0x151: {  	v1 =	vld [tilespmem:$0x156B0];
	_ =	sdelay $0x7  }
0x152: {  	[tilespmem:v1+s13+$0x0] =	vst.idx.add.f32.msk $0xffff, v0  }
0x153: {  	v1 =	vld [tilespmem:$0x156C0];
	_ =	sdelay $0x7  }
0x154: {  	[tilespmem:v1+s13+$0x0] =	vst.idx.add.f32.msk $0xffff, v0  }
0x155: {  	_ =	swait.ge [sflag:s20], $0x2800  }
0x156: {  	[sflag:s20] =	ssyncset.done $0x0  }
0x157: {  	s31 =	simm.s32 $0x15680;
	[sflag:s20] =	ssyncadd.s32 $0xFFFFD800  }
0x158: {  	[spmem:s2] =	stream.indirect.scatter.add.f32 [tilespmem:s18], [sflag:$0x4], $0x80, s31, s17, $0xb8;
	[tilespmem:$0x1D000] =	vst v63  }
0x159: {  	_ =	swait.ge [sflag:s21], $0x2800  }
0x15a: {  	[sflag:s21] =	ssyncset.done $0x0  }
0x15b: {  	s29 =	simm.s32 $0x14780;
	[sflag:s21] =	ssyncadd.s32 $0xFFFFD800  }
0x15c: {  	[tilespmem:s18], [sflag:$0x1] =	stream.indirect.gather [hbm4b:s1+s17], $0x80, s29, s17, $0xb8;
	[tilespmem:$0x1D000] =	vst v63  }
0x15d: {  	_ =	swait.ge [sflag:s22], $0x2800  }
0x15e: {  	[sflag:s22] =	ssyncset.done $0x0  }
0x15f: {  	[sflag:s22] =	ssyncadd.s32 $0xFFFFD800  }
0x160: {  	[tilespmem:s19], [sflag:$0x2] =	stream.indirect.gather [hbm4b:s1+s17], $0x80, s24, s17, $0xb8;
	[tilespmem:$0x1D000] =	vst v63  }
0x161: {  	_ =	swait.ge [sflag:s20], $0x2800  }
0x162: {  	[sflag:s20] =	ssyncset.done $0x0  }
0x163: {  	[sflag:s20] =	ssyncadd.s32 $0xFFFFD800  }
0x164: {  	_ =	swait.ge [sflag:s22], $0x2800  }
0x165: {  	[sflag:s22] =	ssyncset.done $0x0  }
0x166: {  	[sflag:s22] =	ssyncadd.s32 $0xFFFFD800  }
0x167: {  	[bflag:$0x0] =	sbarrier.arrive $0xFFFF  }
0x168: {  	[hbm:s25], [sflag:s6] =	dma.local [spmem:s11], $0x2700  }
0x169: {  	_ =	swait.ge [sflag:s12], $0x2700  }
0x16a: {  	[sflag:s12] =	ssyncset.done $0x0  }
0x16b: {  	s31 =	simm.s32 $0x80;
	s29 =	simm.s32 $0x400;
	[sflag:s12] =	ssyncadd.s32 $0xFFFFD900  }
0x16c: {  	[hbm4b:s23+s31] =	stream.strided.scatter [tilespmem:s13], [sflag:$0x3], $0x2780, s29, s31, $0x38;
	[tilespmem:$0x1D000] =	vst v63  }
0x16d: {  	_ =	swait.ge [sflag:s12], $0x2780  }
0x16e: {  	s30 =	sadd.s32 $0x1, s30;
	[sflag:s12] =	ssyncset.done $0x0  }
0x16f: {  	s0 =	sadd.s32 @!p0 $0x27000, s9;
	p1 =	sne.s32 s30, s10;
	[sflag:s12] =	ssyncadd.s32 $0xFFFFD880  }
0x170: {  	[hbm:s0], [sflag:s6] =	dma.local @!p0 [spmem:s14], $0x100  }
.Ltmp4:
0x171: {  	_ = 	snop;
	(pc) =	sbr.rel @p1 .LBB2_1-.Ltmp4, $4  }
0x172: {  	s0 =	simm.s32 @!p0 $0x3  }
0x173: {  	_ =	swait.ge @!p0 [sflag:s0], $0x100  }
0x174: {  	[sflag:s0] =	ssyncset.done @!p0 $0x0  }
0x175: {  	[sflag:s0] =	ssyncadd.s32 @!p0 $0xFFFFFF00  }
0x176: {  	_ =	sfence.sel $0x180000  }
0x177: {  	[bflag:$0x0] =	sbarrier.arrive $0xFFFF  }
0x178: {  	_ =	strace $0x90000047  }
0x179: {  	[bflag:$0x2] =	sbarrier.arrive $0xFFFF  }
0x17a: {  	s0 =	rddreg [dreg:$0x4]  }
0x17b: {  	s0 =	sadd.s32 @!p0 $0x100000, s0  }
0x17c: {  	[sflag:s0] =	ssyncadd.tile.s32 @!p0 $0x1;
	_ =	shalt  }
.Lfunc_end2:
_tile_overlayer_lowered:
.L_overlay_start_2:
0x17d: {  	(tag) =	ssettag $0x2  }
0x17e: {  	s0 =	rddreg [dreg:$0x0];
	s2 =	stileid.u32  }
0x17f: {  	s1 =	rddreg [dreg:$0x1];
	p0 =	sne.s32 s2, $0x0  }
0x180: {  	s3 =	rddreg [dreg:$0x2];
	[bflag:$0x3] =	sbarrier.arrive $0xFFFF;
	s2 =	simm.s32 @!p0 $0x1C03  }
0x181: {  	[timem:s3], [sflag:s2] =	dma.local @!p0 [hbm:s0], s1  }
0x182: {  	s0 =	simm.s32 @!p0 $0x3  }
0x183: {  	_ =	swait.ge @!p0 [sflag:s0], s1  }
0x184: {  	s1 =	ssub.s32 @!p0 $0x0, s1;
	[sflag:s0] =	ssyncset.done @!p0 $0x0  }
0x185: {  	[sflag:s0] =	ssyncadd.s32 @!p0 s1  }
0x186: {  	[bflag:$0x3] =	sbarrier.arrive $0xFFFF  }
0x187: {  	_ =	shalt  }

</sc_bundles>
